<compile_context>
chip_gen: v7x
topology: tpu7x:2x2x1
jax: 0.10.2.dev20260603
libtpu: 0.0.44.dev20260713+nightly
codegen_flags: <defaults>
</compile_context>

<pallas_src>
import functools

import jax
import jax.numpy as jnp
from jax import lax
from jax.experimental import pallas as pl
from jax.experimental.pallas import tpu as pltpu
from jax.experimental.pallas import tpu_sc as plsc

_VOCAB = 1000000
_DIM = 64
_B = 4096 * 200
_NC, _NS = 2, 16
_NW = 32
_B_PER_W = _B // _NW
_CHUNK = 128
_N_CHUNKS = _B_PER_W // _CHUNK
_NBUF = 4

_mesh = plsc.VectorSubcoreMesh(
    core_axis_name="c", subcore_axis_name="s",
    num_cores=_NC, num_subcores=_NS,
)


@functools.partial(
    pl.kernel,
    out_type=jax.ShapeDtypeStruct((_B, _DIM), jnp.float32),
    mesh=_mesh,
    scratch_types=[
        pltpu.VMEM((2 * _NBUF, _CHUNK), jnp.int32),
        [pltpu.VMEM((_CHUNK, 128), jnp.float32) for _ in range(_NBUF)],
        [pltpu.VMEM((_CHUNK, _DIM), jnp.float32) for _ in range(2)],
        [pltpu.SemaphoreType.DMA for _ in range(_NBUF)],
        [pltpu.SemaphoreType.DMA for _ in range(2)],
    ],
    compiler_params=pltpu.CompilerParams(use_tc_tiling_on_sc=True),
)
def _gather_kernel(idx_hbm, tpad_hbm, out_hbm, idx_v, rows, rows64,
                   gsem, wsem):
    wid = lax.axis_index("s") * _NC + lax.axis_index("c")
    chunk0 = wid * _N_CHUNKS
    base = wid * _B_PER_W

    pltpu.sync_copy(idx_hbm.at[pl.ds(chunk0, _NBUF)],
                    idx_v.at[pl.ds(0, _NBUF)])
    for b in range(_NBUF):
        pltpu.async_copy(tpad_hbm.at[idx_v.at[b]], rows[b], gsem[b])

    @pl.loop(0, _N_CHUNKS, step=_NBUF)
    def _slab(g0):
        for b in range(_NBUF):
            c = b % 2
            pltpu.make_async_copy(
                tpad_hbm.at[idx_v.at[b]], rows[b], gsem[b]).wait()

            @pl.when(g0 + b >= 2)
            def _reuse():
                pltpu.make_async_copy(
                    rows64[c], out_hbm.at[pl.ds(0, _CHUNK)],
                    wsem[c]).wait()

            @pl.loop(0, _CHUNK)
            def _row(i):
                for k in range(_DIM // 16):
                    rows64[c][i, pl.ds(16 * k, 16)] = (
                        rows[b][i, pl.ds(16 * k, 16)])

            pltpu.async_copy(
                rows64[c],
                out_hbm.at[pl.ds(base + (g0 + b) * _CHUNK, _CHUNK)],
                wsem[c])

        @pl.when(g0 + _NBUF < _N_CHUNKS)
        def _next():
            pltpu.sync_copy(
                idx_hbm.at[pl.ds(chunk0 + g0 + _NBUF, _NBUF)],
                idx_v.at[pl.ds(0, _NBUF)])
            for b in range(_NBUF):
                pltpu.async_copy(tpad_hbm.at[idx_v.at[b]], rows[b], gsem[b])

    for c in range(2):
        pltpu.make_async_copy(
            rows64[c], out_hbm.at[pl.ds(0, _CHUNK)], wsem[c]).wait()


def kernel(inputs, table):
    tpad = jnp.pad(table, ((0, 0), (0, 64)))
    idx = inputs.reshape(_B // _CHUNK, _CHUNK)
    out = _gather_kernel(idx, tpad)
    return out.reshape(4096, 200, 64)

# --- scband reference (transcript-rebuilt; emitter-appended) ---
"""Pipeline reference for scband-word-embedding-model-15229954032199 (READ-ONLY COPY).

The authoritative reference and input builder live on the scoring server;
editing this copy changes nothing except your own understanding.
"""

import jax, jax.numpy as jnp
import numpy as np

VOCAB = 1000000
EMBED_DIM = 64
BATCH = 4096
HIST = 200

def setup_inputs(seed: int = 0) -> dict:
    key = jax.random.key(seed)
    k1, k2 = jax.random.split(key)
    inputs = jax.random.randint(k1, (BATCH, HIST), 0, VOCAB, dtype=jnp.int64 if jax.config.jax_enable_x64 else jnp.int32)
    table = jax.random.normal(k2, (VOCAB, EMBED_DIM), dtype=jnp.float32)
    return {"inputs": inputs, "table": table}

def reference(inputs, table):
    # Embedding lookup (nn.Embedding) followed by Dropout(0.3).
    # Dropout is identity at inference time, so the faithful eval-mode
    # forward is just the gather.
    out = jnp.take(table, inputs, axis=0)
    return out

if __name__ == "__main__":
    import jax
    _d = setup_inputs()
    print(jax.jit(kernel)(*tuple(_d.values())))

</pallas_src>

<mosaic_0001>
#map = affine_map<(d0, d1) -> (0, 0)>
module attributes {stable_mosaic.version = 14 : i64} {
  func.func @_gather_kernel(%arg0: i32, %arg1: i32, %arg2: memref<6400x128xi32, #tpu.memory_space<hbm>>, %arg3: memref<1000000x128xf32, #tpu.memory_space<hbm>>, %arg4: memref<819200x64xf32, #tpu.memory_space<hbm>>, %arg5: memref<8x128xi32, #tpu.memory_space<vmem>>, %arg6: memref<128x128xf32, #tpu.memory_space<vmem>>, %arg7: memref<128x128xf32, #tpu.memory_space<vmem>>, %arg8: memref<128x128xf32, #tpu.memory_space<vmem>>, %arg9: memref<128x128xf32, #tpu.memory_space<vmem>>, %arg10: memref<128x64xf32, #tpu.memory_space<vmem>>, %arg11: memref<128x64xf32, #tpu.memory_space<vmem>>, %arg12: memref<!tpu.dma_semaphore, #tpu.memory_space<semaphore_mem>>, %arg13: memref<!tpu.dma_semaphore, #tpu.memory_space<semaphore_mem>>, %arg14: memref<!tpu.dma_semaphore, #tpu.memory_space<semaphore_mem>>, %arg15: memref<!tpu.dma_semaphore, #tpu.memory_space<semaphore_mem>>, %arg16: memref<!tpu.dma_semaphore, #tpu.memory_space<semaphore_mem>>, %arg17: memref<!tpu.dma_semaphore, #tpu.memory_space<semaphore_mem>>) attributes {dimension_semantics = [#tpu.dimension_semantics<core_parallel>, #tpu.dimension_semantics<subcore_parallel>], iteration_bounds = array<i64: 2, 16>, scalar_prefetch = 0 : i64, scratch_operands = 13 : i64, tpu.core_type = #tpu.core_type<sc_vector_subcore>, window_params = [{transform_indices = #map}, {transform_indices = #map}, {transform_indices = #map}]} {
    %mul3A = arith.constant 2 : i32
    %mul3A_0 = arith.muli %arg1, %mul3A : i32
    %add3A = arith.addi %mul3A_0, %arg0 : i32
    %mul3A_1 = arith.constant 200 : i32
    %mul3A_2 = arith.muli %add3A, %mul3A_1 : i32
    %mul3A_3 = arith.constant 25600 : i32
    %mul3A_4 = arith.muli %add3A, %mul3A_3 : i32
    "tpu.region"() ({
      %run_scoped3A = tpu.sem_alloc : memref<!tpu.dma_semaphore, #tpu.memory_space<semaphore_mem>>
      %dma_start3A_47 = arith.constant 0 : i32
      %dma_start3A_48 = arith.constant 0 : i32
      %dma_start3A_49 = tpu.memref_slice %arg5[%dma_start3A_47, %dma_start3A_48] : memref<8x128xi32, #tpu.memory_space<vmem>> -> memref<4x128xi32, #tpu.memory_space<vmem>>
      %dma_start3A_50 = arith.constant 0 : i32
      %dma_start3A_51 = tpu.memref_slice %arg2[%mul3A_2, %dma_start3A_50] : memref<6400x128xi32, #tpu.memory_space<hbm>> -> memref<4x128xi32, #tpu.memory_space<hbm>>
      %dma_start3A_52 = arith.constant 0 : i32
      %dma_start3A_53 = arith.constant 0 : i32
      %dma_start3A_54 = tpu.memref_slice %arg5[%dma_start3A_52, %dma_start3A_53] : memref<8x128xi32, #tpu.memory_space<vmem>> -> memref<4x128xi32, #tpu.memory_space<vmem>>
      %dma_start3A_55 = arith.constant 0 : i32
      %dma_start3A_56 = tpu.memref_slice %arg2[%mul3A_2, %dma_start3A_55] : memref<6400x128xi32, #tpu.memory_space<hbm>> -> memref<4x128xi32, #tpu.memory_space<hbm>>
      tpu.enqueue_dma source(%dma_start3A_56 : memref<4x128xi32, #tpu.memory_space<hbm>>) target(%dma_start3A_54 : memref<4x128xi32, #tpu.memory_space<vmem>>) target_semaphore(%run_scoped3A : memref<!tpu.dma_semaphore, #tpu.memory_space<semaphore_mem>>)
      %dma_wait3A_57 = arith.constant 0 : i32
      %dma_wait3A_58 = arith.constant 0 : i32
      %dma_wait3A_59 = tpu.memref_slice %arg5[%dma_wait3A_57, %dma_wait3A_58] : memref<8x128xi32, #tpu.memory_space<vmem>> -> memref<4x128xi32, #tpu.memory_space<vmem>>
      %dma_wait3A_60 = arith.constant 0 : i32
      %dma_wait3A_61 = tpu.memref_slice %arg2[%mul3A_2, %dma_wait3A_60] : memref<6400x128xi32, #tpu.memory_space<hbm>> -> memref<4x128xi32, #tpu.memory_space<hbm>>
      %dma_wait3A_62 = arith.constant 0 : i32
      %dma_wait3A_63 = arith.constant 0 : i32
      %dma_wait3A_64 = tpu.memref_slice %arg5[%dma_wait3A_62, %dma_wait3A_63] : memref<8x128xi32, #tpu.memory_space<vmem>> -> memref<4x128xi32, #tpu.memory_space<vmem>>
      %dma_wait3A_65 = arith.constant 0 : i32
      %dma_wait3A_66 = tpu.memref_slice %arg2[%mul3A_2, %dma_wait3A_65] : memref<6400x128xi32, #tpu.memory_space<hbm>> -> memref<4x128xi32, #tpu.memory_space<hbm>>
      tpu.wait_dma2 semaphore(%run_scoped3A : memref<!tpu.dma_semaphore, #tpu.memory_space<semaphore_mem>>) src(%dma_wait3A_66 : memref<4x128xi32, #tpu.memory_space<hbm>>) dst(%dma_wait3A_64 : memref<4x128xi32, #tpu.memory_space<vmem>>)
      tpu.yield
    }) : () -> ()
    %dma_start3A = arith.constant 0 : i32
    %dma_start3A_5 = arith.constant 0 : i32
    %dma_start3A_6 = tpu.memref_slice %arg5[%dma_start3A, %dma_start3A_5] : memref<8x128xi32, #tpu.memory_space<vmem>> -> memref<1x128xi32, #tpu.memory_space<vmem>>
    %dma_start3A_7 = tpu.memref_squeeze %dma_start3A_6 : memref<1x128xi32, #tpu.memory_space<vmem>> -> memref<128xi32, #tpu.memory_space<vmem>>
    %dma_start3A_8 = arith.constant 0 : i32
    %dma_start3A_9 = arith.constant 0 : i32
    %dma_start3A_10 = tpu.memref_slice %arg3[%dma_start3A_8, %dma_start3A_9] : memref<1000000x128xf32, #tpu.memory_space<hbm>> -> memref<1000000x128xf32, #tpu.memory_space<hbm>>
    tpu.enqueue_indirect_dma source(%dma_start3A_10 : memref<1000000x128xf32, #tpu.memory_space<hbm>>) target(%arg6 : memref<128x128xf32, #tpu.memory_space<vmem>>) offsets(%dma_start3A_7 : memref<128xi32, #tpu.memory_space<vmem>>) semaphore(%arg12 : memref<!tpu.dma_semaphore, #tpu.memory_space<semaphore_mem>>)
    %dma_start3A_11 = arith.constant 1 : i32
    %dma_start3A_12 = arith.constant 0 : i32
    %dma_start3A_13 = tpu.memref_slice %arg5[%dma_start3A_11, %dma_start3A_12] : memref<8x128xi32, #tpu.memory_space<vmem>> -> memref<1x128xi32, #tpu.memory_space<vmem>>
    %dma_start3A_14 = tpu.memref_squeeze %dma_start3A_13 : memref<1x128xi32, #tpu.memory_space<vmem>> -> memref<128xi32, #tpu.memory_space<vmem>>
    %dma_start3A_15 = arith.constant 0 : i32
    %dma_start3A_16 = arith.constant 0 : i32
    %dma_start3A_17 = tpu.memref_slice %arg3[%dma_start3A_15, %dma_start3A_16] : memref<1000000x128xf32, #tpu.memory_space<hbm>> -> memref<1000000x128xf32, #tpu.memory_space<hbm>>
    tpu.enqueue_indirect_dma source(%dma_start3A_17 : memref<1000000x128xf32, #tpu.memory_space<hbm>>) target(%arg7 : memref<128x128xf32, #tpu.memory_space<vmem>>) offsets(%dma_start3A_14 : memref<128xi32, #tpu.memory_space<vmem>>) semaphore(%arg13 : memref<!tpu.dma_semaphore, #tpu.memory_space<semaphore_mem>>)
    %dma_start3A_18 = arith.constant 2 : i32
    %dma_start3A_19 = arith.constant 0 : i32
    %dma_start3A_20 = tpu.memref_slice %arg5[%dma_start3A_18, %dma_start3A_19] : memref<8x128xi32, #tpu.memory_space<vmem>> -> memref<1x128xi32, #tpu.memory_space<vmem>>
    %dma_start3A_21 = tpu.memref_squeeze %dma_start3A_20 : memref<1x128xi32, #tpu.memory_space<vmem>> -> memref<128xi32, #tpu.memory_space<vmem>>
    %dma_start3A_22 = arith.constant 0 : i32
    %dma_start3A_23 = arith.constant 0 : i32
    %dma_start3A_24 = tpu.memref_slice %arg3[%dma_start3A_22, %dma_start3A_23] : memref<1000000x128xf32, #tpu.memory_space<hbm>> -> memref<1000000x128xf32, #tpu.memory_space<hbm>>
    tpu.enqueue_indirect_dma source(%dma_start3A_24 : memref<1000000x128xf32, #tpu.memory_space<hbm>>) target(%arg8 : memref<128x128xf32, #tpu.memory_space<vmem>>) offsets(%dma_start3A_21 : memref<128xi32, #tpu.memory_space<vmem>>) semaphore(%arg14 : memref<!tpu.dma_semaphore, #tpu.memory_space<semaphore_mem>>)
    %dma_start3A_25 = arith.constant 3 : i32
    %dma_start3A_26 = arith.constant 0 : i32
    %dma_start3A_27 = tpu.memref_slice %arg5[%dma_start3A_25, %dma_start3A_26] : memref<8x128xi32, #tpu.memory_space<vmem>> -> memref<1x128xi32, #tpu.memory_space<vmem>>
    %dma_start3A_28 = tpu.memref_squeeze %dma_start3A_27 : memref<1x128xi32, #tpu.memory_space<vmem>> -> memref<128xi32, #tpu.memory_space<vmem>>
    %dma_start3A_29 = arith.constant 0 : i32
    %dma_start3A_30 = arith.constant 0 : i32
    %dma_start3A_31 = tpu.memref_slice %arg3[%dma_start3A_29, %dma_start3A_30] : memref<1000000x128xf32, #tpu.memory_space<hbm>> -> memref<1000000x128xf32, #tpu.memory_space<hbm>>
    tpu.enqueue_indirect_dma source(%dma_start3A_31 : memref<1000000x128xf32, #tpu.memory_space<hbm>>) target(%arg9 : memref<128x128xf32, #tpu.memory_space<vmem>>) offsets(%dma_start3A_28 : memref<128xi32, #tpu.memory_space<vmem>>) semaphore(%arg15 : memref<!tpu.dma_semaphore, #tpu.memory_space<semaphore_mem>>)
    %scan3A = arith.constant 0 : i32
    %scan3A_32 = arith.constant 50 : i32
    %scan3A_33 = arith.addi %scan3A, %scan3A_32 : i32
    %scan3A_34 = arith.constant 1 : i32
    scf.for %scan3A_47 = %scan3A to %scan3A_33 step %scan3A_34  : i32 {
      %mul3A_48 = arith.constant 4 : i32
      %mul3A_49 = arith.muli %scan3A_47, %mul3A_48 : i32
      %add3A_50 = arith.constant 0 : i32
      %add3A_51 = arith.addi %add3A_50, %mul3A_49 : i32
      %dma_wait3A_52 = arith.constant 0 : i32
      %dma_wait3A_53 = arith.constant 0 : i32
      %dma_wait3A_54 = tpu.memref_slice %arg5[%dma_wait3A_52, %dma_wait3A_53] : memref<8x128xi32, #tpu.memory_space<vmem>> -> memref<1x128xi32, #tpu.memory_space<vmem>>
      %dma_wait3A_55 = tpu.memref_squeeze %dma_wait3A_54 : memref<1x128xi32, #tpu.memory_space<vmem>> -> memref<128xi32, #tpu.memory_space<vmem>>
      %dma_wait3A_56 = arith.constant 0 : i32
      %dma_wait3A_57 = arith.constant 0 : i32
      %dma_wait3A_58 = tpu.memref_slice %arg3[%dma_wait3A_56, %dma_wait3A_57] : memref<1000000x128xf32, #tpu.memory_space<hbm>> -> memref<1000000x128xf32, #tpu.memory_space<hbm>>
      tpu.wait_indirect_dma semaphore(%arg12 : memref<!tpu.dma_semaphore, #tpu.memory_space<semaphore_mem>>) src(%dma_wait3A_58 : memref<1000000x128xf32, #tpu.memory_space<hbm>>) dst(%arg6 : memref<128x128xf32, #tpu.memory_space<vmem>>)
      %add3A_59 = arith.constant 0 : i32
      %add3A_60 = arith.addi %add3A_51, %add3A_59 : i32
      %ge3A = arith.constant 2 : i32
      %ge3A_61 = arith.cmpi sge, %add3A_60, %ge3A : i32
      %convert_element_type3A = arith.extui %ge3A_61 : i1 to i32
      %cond3A = arith.constant 0 : i32
      %cond3A_62 = arith.cmpi ne, %convert_element_type3A, %cond3A : i32
      scf.if %cond3A_62 {
        %dma_wait3A_167 = arith.constant 0 : i32
        %dma_wait3A_168 = arith.constant 0 : i32
        %dma_wait3A_169 = tpu.memref_slice %arg4[%dma_wait3A_167, %dma_wait3A_168] : memref<819200x64xf32, #tpu.memory_space<hbm>> -> memref<128x64xf32, #tpu.memory_space<hbm>>
        %dma_wait3A_170 = arith.constant 0 : i32
        %dma_wait3A_171 = arith.constant 0 : i32
        %dma_wait3A_172 = tpu.memref_slice %arg4[%dma_wait3A_170, %dma_wait3A_171] : memref<819200x64xf32, #tpu.memory_space<hbm>> -> memref<128x64xf32, #tpu.memory_space<hbm>>
        tpu.wait_dma2 semaphore(%arg16 : memref<!tpu.dma_semaphore, #tpu.memory_space<semaphore_mem>>) src(%arg10 : memref<128x64xf32, #tpu.memory_space<vmem>>) dst(%dma_wait3A_172 : memref<128x64xf32, #tpu.memory_space<hbm>>)
      } else {
      }
      %scan3A_63 = arith.constant 0 : i32
      %scan3A_64 = arith.constant 128 : i32
      %scan3A_65 = arith.addi %scan3A_63, %scan3A_64 : i32
      %scan3A_66 = arith.constant 1 : i32
      scf.for %scan3A_167 = %scan3A_63 to %scan3A_65 step %scan3A_66  : i32 {
        %mul3A_168 = arith.constant 1 : i32
        %mul3A_169 = arith.muli %scan3A_167, %mul3A_168 : i32
        %add3A_170 = arith.constant 0 : i32
        %add3A_171 = arith.addi %add3A_170, %mul3A_169 : i32
        %get3A = arith.index_cast %add3A_171 : i32 to index
        %get3A_172 = arith.constant 0 : index
        %get3A_173 = tpu.vector_load %arg6[%get3A, %get3A_172] {strides = array<i32>} : memref<128x128xf32, #tpu.memory_space<vmem>>, vector<1x16xf32>,
        %get3A_174 = vector.shape_cast %get3A_173 : vector<1x16xf32> to vector<16xf32>
        %swap3A = arith.index_cast %add3A_171 : i32 to index
        %swap3A_175 = arith.constant 0 : index
        %swap3A_176 = tpu.vector_load %arg10[%swap3A, %swap3A_175] {strides = array<i32>} : memref<128x64xf32, #tpu.memory_space<vmem>>, vector<1x16xf32>,
        %swap3A_177 = vector.shape_cast %swap3A_176 : vector<1x16xf32> to vector<16xf32>
        %swap3A_178 = vector.shape_cast %get3A_174 : vector<16xf32> to vector<1x16xf32>
        tpu.vector_store %arg10[%swap3A, %swap3A_175], %swap3A_178 {strides = array<i32>} : memref<128x64xf32, #tpu.memory_space<vmem>>, vector<1x16xf32>,
        %get3A_179 = arith.index_cast %add3A_171 : i32 to index
        %get3A_180 = arith.constant 16 : index
        %get3A_181 = tpu.vector_load %arg6[%get3A_179, %get3A_180] {strides = array<i32>} : memref<128x128xf32, #tpu.memory_space<vmem>>, vector<1x16xf32>,
        %get3A_182 = vector.shape_cast %get3A_181 : vector<1x16xf32> to vector<16xf32>
        %swap3A_183 = arith.index_cast %add3A_171 : i32 to index
        %swap3A_184 = arith.constant 16 : index
        %swap3A_185 = tpu.vector_load %arg10[%swap3A_183, %swap3A_184] {strides = array<i32>} : memref<128x64xf32, #tpu.memory_space<vmem>>, vector<1x16xf32>,
        %swap3A_186 = vector.shape_cast %swap3A_185 : vector<1x16xf32> to vector<16xf32>
        %swap3A_187 = vector.shape_cast %get3A_182 : vector<16xf32> to vector<1x16xf32>
        tpu.vector_store %arg10[%swap3A_183, %swap3A_184], %swap3A_187 {strides = array<i32>} : memref<128x64xf32, #tpu.memory_space<vmem>>, vector<1x16xf32>,
        %get3A_188 = arith.index_cast %add3A_171 : i32 to index
        %get3A_189 = arith.constant 32 : index
        %get3A_190 = tpu.vector_load %arg6[%get3A_188, %get3A_189] {strides = array<i32>} : memref<128x128xf32, #tpu.memory_space<vmem>>, vector<1x16xf32>,
        %get3A_191 = vector.shape_cast %get3A_190 : vector<1x16xf32> to vector<16xf32>
        %swap3A_192 = arith.index_cast %add3A_171 : i32 to index
        %swap3A_193 = arith.constant 32 : index
        %swap3A_194 = tpu.vector_load %arg10[%swap3A_192, %swap3A_193] {strides = array<i32>} : memref<128x64xf32, #tpu.memory_space<vmem>>, vector<1x16xf32>,
        %swap3A_195 = vector.shape_cast %swap3A_194 : vector<1x16xf32> to vector<16xf32>
        %swap3A_196 = vector.shape_cast %get3A_191 : vector<16xf32> to vector<1x16xf32>
        tpu.vector_store %arg10[%swap3A_192, %swap3A_193], %swap3A_196 {strides = array<i32>} : memref<128x64xf32, #tpu.memory_space<vmem>>, vector<1x16xf32>,
        %get3A_197 = arith.index_cast %add3A_171 : i32 to index
        %get3A_198 = arith.constant 48 : index
        %get3A_199 = tpu.vector_load %arg6[%get3A_197, %get3A_198] {strides = array<i32>} : memref<128x128xf32, #tpu.memory_space<vmem>>, vector<1x16xf32>,
        %get3A_200 = vector.shape_cast %get3A_199 : vector<1x16xf32> to vector<16xf32>
        %swap3A_201 = arith.index_cast %add3A_171 : i32 to index
        %swap3A_202 = arith.constant 48 : index
        %swap3A_203 = tpu.vector_load %arg10[%swap3A_201, %swap3A_202] {strides = array<i32>} : memref<128x64xf32, #tpu.memory_space<vmem>>, vector<1x16xf32>,
        %swap3A_204 = vector.shape_cast %swap3A_203 : vector<1x16xf32> to vector<16xf32>
        %swap3A_205 = vector.shape_cast %get3A_200 : vector<16xf32> to vector<1x16xf32>
        tpu.vector_store %arg10[%swap3A_201, %swap3A_202], %swap3A_205 {strides = array<i32>} : memref<128x64xf32, #tpu.memory_space<vmem>>, vector<1x16xf32>,
      }
      %scan3A_67 = arith.constant 128 : i32
      %add3A_68 = arith.constant 0 : i32
      %add3A_69 = arith.addi %add3A_51, %add3A_68 : i32
      %mul3A_70 = arith.constant 128 : i32
      %mul3A_71 = arith.muli %add3A_69, %mul3A_70 : i32
      %add3A_72 = arith.addi %mul3A_4, %mul3A_71 : i32
      %dma_start3A_73 = arith.constant 0 : i32
      %dma_start3A_74 = tpu.memref_slice %arg4[%add3A_72, %dma_start3A_73] : memref<819200x64xf32, #tpu.memory_space<hbm>> -> memref<128x64xf32, #tpu.memory_space<hbm>>
      %dma_start3A_75 = arith.constant 0 : i32
      %dma_start3A_76 = tpu.memref_slice %arg4[%add3A_72, %dma_start3A_75] : memref<819200x64xf32, #tpu.memory_space<hbm>> -> memref<128x64xf32, #tpu.memory_space<hbm>>
      tpu.enqueue_dma source(%arg10 : memref<128x64xf32, #tpu.memory_space<vmem>>) target(%dma_start3A_76 : memref<128x64xf32, #tpu.memory_space<hbm>>) target_semaphore(%arg16 : memref<!tpu.dma_semaphore, #tpu.memory_space<semaphore_mem>>)
      %dma_wait3A_77 = arith.constant 1 : i32
      %dma_wait3A_78 = arith.constant 0 : i32
      %dma_wait3A_79 = tpu.memref_slice %arg5[%dma_wait3A_77, %dma_wait3A_78] : memref<8x128xi32, #tpu.memory_space<vmem>> -> memref<1x128xi32, #tpu.memory_space<vmem>>
      %dma_wait3A_80 = tpu.memref_squeeze %dma_wait3A_79 : memref<1x128xi32, #tpu.memory_space<vmem>> -> memref<128xi32, #tpu.memory_space<vmem>>
      %dma_wait3A_81 = arith.constant 0 : i32
      %dma_wait3A_82 = arith.constant 0 : i32
      %dma_wait3A_83 = tpu.memref_slice %arg3[%dma_wait3A_81, %dma_wait3A_82] : memref<1000000x128xf32, #tpu.memory_space<hbm>> -> memref<1000000x128xf32, #tpu.memory_space<hbm>>
      tpu.wait_indirect_dma semaphore(%arg13 : memref<!tpu.dma_semaphore, #tpu.memory_space<semaphore_mem>>) src(%dma_wait3A_83 : memref<1000000x128xf32, #tpu.memory_space<hbm>>) dst(%arg7 : memref<128x128xf32, #tpu.memory_space<vmem>>)
      %add3A_84 = arith.constant 1 : i32
      %add3A_85 = arith.addi %add3A_51, %add3A_84 : i32
      %ge3A_86 = arith.constant 2 : i32
      %ge3A_87 = arith.cmpi sge, %add3A_85, %ge3A_86 : i32
      %convert_element_type3A_88 = arith.extui %ge3A_87 : i1 to i32
      %cond3A_89 = arith.constant 0 : i32
      %cond3A_90 = arith.cmpi ne, %convert_element_type3A_88, %cond3A_89 : i32
      scf.if %cond3A_90 {
        %dma_wait3A_167 = arith.constant 0 : i32
        %dma_wait3A_168 = arith.constant 0 : i32
        %dma_wait3A_169 = tpu.memref_slice %arg4[%dma_wait3A_167, %dma_wait3A_168] : memref<819200x64xf32, #tpu.memory_space<hbm>> -> memref<128x64xf32, #tpu.memory_space<hbm>>
        %dma_wait3A_170 = arith.constant 0 : i32
        %dma_wait3A_171 = arith.constant 0 : i32
        %dma_wait3A_172 = tpu.memref_slice %arg4[%dma_wait3A_170, %dma_wait3A_171] : memref<819200x64xf32, #tpu.memory_space<hbm>> -> memref<128x64xf32, #tpu.memory_space<hbm>>
        tpu.wait_dma2 semaphore(%arg17 : memref<!tpu.dma_semaphore, #tpu.memory_space<semaphore_mem>>) src(%arg11 : memref<128x64xf32, #tpu.memory_space<vmem>>) dst(%dma_wait3A_172 : memref<128x64xf32, #tpu.memory_space<hbm>>)
      } else {
      }
      %scan3A_91 = arith.constant 0 : i32
      %scan3A_92 = arith.constant 128 : i32
      %scan3A_93 = arith.addi %scan3A_91, %scan3A_92 : i32
      %scan3A_94 = arith.constant 1 : i32
      scf.for %scan3A_167 = %scan3A_91 to %scan3A_93 step %scan3A_94  : i32 {
        %mul3A_168 = arith.constant 1 : i32
        %mul3A_169 = arith.muli %scan3A_167, %mul3A_168 : i32
        %add3A_170 = arith.constant 0 : i32
        %add3A_171 = arith.addi %add3A_170, %mul3A_169 : i32
        %get3A = arith.index_cast %add3A_171 : i32 to index
        %get3A_172 = arith.constant 0 : index
        %get3A_173 = tpu.vector_load %arg7[%get3A, %get3A_172] {strides = array<i32>} : memref<128x128xf32, #tpu.memory_space<vmem>>, vector<1x16xf32>,
        %get3A_174 = vector.shape_cast %get3A_173 : vector<1x16xf32> to vector<16xf32>
        %swap3A = arith.index_cast %add3A_171 : i32 to index
        %swap3A_175 = arith.constant 0 : index
        %swap3A_176 = tpu.vector_load %arg11[%swap3A, %swap3A_175] {strides = array<i32>} : memref<128x64xf32, #tpu.memory_space<vmem>>, vector<1x16xf32>,
        %swap3A_177 = vector.shape_cast %swap3A_176 : vector<1x16xf32> to vector<16xf32>
        %swap3A_178 = vector.shape_cast %get3A_174 : vector<16xf32> to vector<1x16xf32>
        tpu.vector_store %arg11[%swap3A, %swap3A_175], %swap3A_178 {strides = array<i32>} : memref<128x64xf32, #tpu.memory_space<vmem>>, vector<1x16xf32>,
        %get3A_179 = arith.index_cast %add3A_171 : i32 to index
        %get3A_180 = arith.constant 16 : index
        %get3A_181 = tpu.vector_load %arg7[%get3A_179, %get3A_180] {strides = array<i32>} : memref<128x128xf32, #tpu.memory_space<vmem>>, vector<1x16xf32>,
        %get3A_182 = vector.shape_cast %get3A_181 : vector<1x16xf32> to vector<16xf32>
        %swap3A_183 = arith.index_cast %add3A_171 : i32 to index
        %swap3A_184 = arith.constant 16 : index
        %swap3A_185 = tpu.vector_load %arg11[%swap3A_183, %swap3A_184] {strides = array<i32>} : memref<128x64xf32, #tpu.memory_space<vmem>>, vector<1x16xf32>,
        %swap3A_186 = vector.shape_cast %swap3A_185 : vector<1x16xf32> to vector<16xf32>
        %swap3A_187 = vector.shape_cast %get3A_182 : vector<16xf32> to vector<1x16xf32>
        tpu.vector_store %arg11[%swap3A_183, %swap3A_184], %swap3A_187 {strides = array<i32>} : memref<128x64xf32, #tpu.memory_space<vmem>>, vector<1x16xf32>,
        %get3A_188 = arith.index_cast %add3A_171 : i32 to index
        %get3A_189 = arith.constant 32 : index
        %get3A_190 = tpu.vector_load %arg7[%get3A_188, %get3A_189] {strides = array<i32>} : memref<128x128xf32, #tpu.memory_space<vmem>>, vector<1x16xf32>,
        %get3A_191 = vector.shape_cast %get3A_190 : vector<1x16xf32> to vector<16xf32>
        %swap3A_192 = arith.index_cast %add3A_171 : i32 to index
        %swap3A_193 = arith.constant 32 : index
        %swap3A_194 = tpu.vector_load %arg11[%swap3A_192, %swap3A_193] {strides = array<i32>} : memref<128x64xf32, #tpu.memory_space<vmem>>, vector<1x16xf32>,
        %swap3A_195 = vector.shape_cast %swap3A_194 : vector<1x16xf32> to vector<16xf32>
        %swap3A_196 = vector.shape_cast %get3A_191 : vector<16xf32> to vector<1x16xf32>
        tpu.vector_store %arg11[%swap3A_192, %swap3A_193], %swap3A_196 {strides = array<i32>} : memref<128x64xf32, #tpu.memory_space<vmem>>, vector<1x16xf32>,
        %get3A_197 = arith.index_cast %add3A_171 : i32 to index
        %get3A_198 = arith.constant 48 : index
        %get3A_199 = tpu.vector_load %arg7[%get3A_197, %get3A_198] {strides = array<i32>} : memref<128x128xf32, #tpu.memory_space<vmem>>, vector<1x16xf32>,
        %get3A_200 = vector.shape_cast %get3A_199 : vector<1x16xf32> to vector<16xf32>
        %swap3A_201 = arith.index_cast %add3A_171 : i32 to index
        %swap3A_202 = arith.constant 48 : index
        %swap3A_203 = tpu.vector_load %arg11[%swap3A_201, %swap3A_202] {strides = array<i32>} : memref<128x64xf32, #tpu.memory_space<vmem>>, vector<1x16xf32>,
        %swap3A_204 = vector.shape_cast %swap3A_203 : vector<1x16xf32> to vector<16xf32>
        %swap3A_205 = vector.shape_cast %get3A_200 : vector<16xf32> to vector<1x16xf32>
        tpu.vector_store %arg11[%swap3A_201, %swap3A_202], %swap3A_205 {strides = array<i32>} : memref<128x64xf32, #tpu.memory_space<vmem>>, vector<1x16xf32>,
      }
      %scan3A_95 = arith.constant 128 : i32
      %add3A_96 = arith.constant 1 : i32
      %add3A_97 = arith.addi %add3A_51, %add3A_96 : i32
      %mul3A_98 = arith.constant 128 : i32
      %mul3A_99 = arith.muli %add3A_97, %mul3A_98 : i32
      %add3A_100 = arith.addi %mul3A_4, %mul3A_99 : i32
      %dma_start3A_101 = arith.constant 0 : i32
      %dma_start3A_102 = tpu.memref_slice %arg4[%add3A_100, %dma_start3A_101] : memref<819200x64xf32, #tpu.memory_space<hbm>> -> memref<128x64xf32, #tpu.memory_space<hbm>>
      %dma_start3A_103 = arith.constant 0 : i32
      %dma_start3A_104 = tpu.memref_slice %arg4[%add3A_100, %dma_start3A_103] : memref<819200x64xf32, #tpu.memory_space<hbm>> -> memref<128x64xf32, #tpu.memory_space<hbm>>
      tpu.enqueue_dma source(%arg11 : memref<128x64xf32, #tpu.memory_space<vmem>>) target(%dma_start3A_104 : memref<128x64xf32, #tpu.memory_space<hbm>>) target_semaphore(%arg17 : memref<!tpu.dma_semaphore, #tpu.memory_space<semaphore_mem>>)
      %dma_wait3A_105 = arith.constant 2 : i32
      %dma_wait3A_106 = arith.constant 0 : i32
      %dma_wait3A_107 = tpu.memref_slice %arg5[%dma_wait3A_105, %dma_wait3A_106] : memref<8x128xi32, #tpu.memory_space<vmem>> -> memref<1x128xi32, #tpu.memory_space<vmem>>
      %dma_wait3A_108 = tpu.memref_squeeze %dma_wait3A_107 : memref<1x128xi32, #tpu.memory_space<vmem>> -> memref<128xi32, #tpu.memory_space<vmem>>
      %dma_wait3A_109 = arith.constant 0 : i32
      %dma_wait3A_110 = arith.constant 0 : i32
      %dma_wait3A_111 = tpu.memref_slice %arg3[%dma_wait3A_109, %dma_wait3A_110] : memref<1000000x128xf32, #tpu.memory_space<hbm>> -> memref<1000000x128xf32, #tpu.memory_space<hbm>>
      tpu.wait_indirect_dma semaphore(%arg14 : memref<!tpu.dma_semaphore, #tpu.memory_space<semaphore_mem>>) src(%dma_wait3A_111 : memref<1000000x128xf32, #tpu.memory_space<hbm>>) dst(%arg8 : memref<128x128xf32, #tpu.memory_space<vmem>>)
      %add3A_112 = arith.constant 2 : i32
      %add3A_113 = arith.addi %add3A_51, %add3A_112 : i32
      %ge3A_114 = arith.constant 2 : i32
      %ge3A_115 = arith.cmpi sge, %add3A_113, %ge3A_114 : i32
      %convert_element_type3A_116 = arith.extui %ge3A_115 : i1 to i32
      %cond3A_117 = arith.constant 0 : i32
      %cond3A_118 = arith.cmpi ne, %convert_element_type3A_116, %cond3A_117 : i32
      scf.if %cond3A_118 {
        %dma_wait3A_167 = arith.constant 0 : i32
        %dma_wait3A_168 = arith.constant 0 : i32
        %dma_wait3A_169 = tpu.memref_slice %arg4[%dma_wait3A_167, %dma_wait3A_168] : memref<819200x64xf32, #tpu.memory_space<hbm>> -> memref<128x64xf32, #tpu.memory_space<hbm>>
        %dma_wait3A_170 = arith.constant 0 : i32
        %dma_wait3A_171 = arith.constant 0 : i32
        %dma_wait3A_172 = tpu.memref_slice %arg4[%dma_wait3A_170, %dma_wait3A_171] : memref<819200x64xf32, #tpu.memory_space<hbm>> -> memref<128x64xf32, #tpu.memory_space<hbm>>
        tpu.wait_dma2 semaphore(%arg16 : memref<!tpu.dma_semaphore, #tpu.memory_space<semaphore_mem>>) src(%arg10 : memref<128x64xf32, #tpu.memory_space<vmem>>) dst(%dma_wait3A_172 : memref<128x64xf32, #tpu.memory_space<hbm>>)
      } else {
      }
      %scan3A_119 = arith.constant 0 : i32
      %scan3A_120 = arith.constant 128 : i32
      %scan3A_121 = arith.addi %scan3A_119, %scan3A_120 : i32
      %scan3A_122 = arith.constant 1 : i32
      scf.for %scan3A_167 = %scan3A_119 to %scan3A_121 step %scan3A_122  : i32 {
        %mul3A_168 = arith.constant 1 : i32
        %mul3A_169 = arith.muli %scan3A_167, %mul3A_168 : i32
        %add3A_170 = arith.constant 0 : i32
        %add3A_171 = arith.addi %add3A_170, %mul3A_169 : i32
        %get3A = arith.index_cast %add3A_171 : i32 to index
        %get3A_172 = arith.constant 0 : index
        %get3A_173 = tpu.vector_load %arg8[%get3A, %get3A_172] {strides = array<i32>} : memref<128x128xf32, #tpu.memory_space<vmem>>, vector<1x16xf32>,
        %get3A_174 = vector.shape_cast %get3A_173 : vector<1x16xf32> to vector<16xf32>
        %swap3A = arith.index_cast %add3A_171 : i32 to index
        %swap3A_175 = arith.constant 0 : index
        %swap3A_176 = tpu.vector_load %arg10[%swap3A, %swap3A_175] {strides = array<i32>} : memref<128x64xf32, #tpu.memory_space<vmem>>, vector<1x16xf32>,
        %swap3A_177 = vector.shape_cast %swap3A_176 : vector<1x16xf32> to vector<16xf32>
        %swap3A_178 = vector.shape_cast %get3A_174 : vector<16xf32> to vector<1x16xf32>
        tpu.vector_store %arg10[%swap3A, %swap3A_175], %swap3A_178 {strides = array<i32>} : memref<128x64xf32, #tpu.memory_space<vmem>>, vector<1x16xf32>,
        %get3A_179 = arith.index_cast %add3A_171 : i32 to index
        %get3A_180 = arith.constant 16 : index
        %get3A_181 = tpu.vector_load %arg8[%get3A_179, %get3A_180] {strides = array<i32>} : memref<128x128xf32, #tpu.memory_space<vmem>>, vector<1x16xf32>,
        %get3A_182 = vector.shape_cast %get3A_181 : vector<1x16xf32> to vector<16xf32>
        %swap3A_183 = arith.index_cast %add3A_171 : i32 to index
        %swap3A_184 = arith.constant 16 : index
        %swap3A_185 = tpu.vector_load %arg10[%swap3A_183, %swap3A_184] {strides = array<i32>} : memref<128x64xf32, #tpu.memory_space<vmem>>, vector<1x16xf32>,
        %swap3A_186 = vector.shape_cast %swap3A_185 : vector<1x16xf32> to vector<16xf32>
        %swap3A_187 = vector.shape_cast %get3A_182 : vector<16xf32> to vector<1x16xf32>
        tpu.vector_store %arg10[%swap3A_183, %swap3A_184], %swap3A_187 {strides = array<i32>} : memref<128x64xf32, #tpu.memory_space<vmem>>, vector<1x16xf32>,
        %get3A_188 = arith.index_cast %add3A_171 : i32 to index
        %get3A_189 = arith.constant 32 : index
        %get3A_190 = tpu.vector_load %arg8[%get3A_188, %get3A_189] {strides = array<i32>} : memref<128x128xf32, #tpu.memory_space<vmem>>, vector<1x16xf32>,
        %get3A_191 = vector.shape_cast %get3A_190 : vector<1x16xf32> to vector<16xf32>
        %swap3A_192 = arith.index_cast %add3A_171 : i32 to index
        %swap3A_193 = arith.constant 32 : index
        %swap3A_194 = tpu.vector_load %arg10[%swap3A_192, %swap3A_193] {strides = array<i32>} : memref<128x64xf32, #tpu.memory_space<vmem>>, vector<1x16xf32>,
        %swap3A_195 = vector.shape_cast %swap3A_194 : vector<1x16xf32> to vector<16xf32>
        %swap3A_196 = vector.shape_cast %get3A_191 : vector<16xf32> to vector<1x16xf32>
        tpu.vector_store %arg10[%swap3A_192, %swap3A_193], %swap3A_196 {strides = array<i32>} : memref<128x64xf32, #tpu.memory_space<vmem>>, vector<1x16xf32>,
        %get3A_197 = arith.index_cast %add3A_171 : i32 to index
        %get3A_198 = arith.constant 48 : index
        %get3A_199 = tpu.vector_load %arg8[%get3A_197, %get3A_198] {strides = array<i32>} : memref<128x128xf32, #tpu.memory_space<vmem>>, vector<1x16xf32>,
        %get3A_200 = vector.shape_cast %get3A_199 : vector<1x16xf32> to vector<16xf32>
        %swap3A_201 = arith.index_cast %add3A_171 : i32 to index
        %swap3A_202 = arith.constant 48 : index
        %swap3A_203 = tpu.vector_load %arg10[%swap3A_201, %swap3A_202] {strides = array<i32>} : memref<128x64xf32, #tpu.memory_space<vmem>>, vector<1x16xf32>,
        %swap3A_204 = vector.shape_cast %swap3A_203 : vector<1x16xf32> to vector<16xf32>
        %swap3A_205 = vector.shape_cast %get3A_200 : vector<16xf32> to vector<1x16xf32>
        tpu.vector_store %arg10[%swap3A_201, %swap3A_202], %swap3A_205 {strides = array<i32>} : memref<128x64xf32, #tpu.memory_space<vmem>>, vector<1x16xf32>,
      }
      %scan3A_123 = arith.constant 128 : i32
      %add3A_124 = arith.constant 2 : i32
      %add3A_125 = arith.addi %add3A_51, %add3A_124 : i32
      %mul3A_126 = arith.constant 128 : i32
      %mul3A_127 = arith.muli %add3A_125, %mul3A_126 : i32
      %add3A_128 = arith.addi %mul3A_4, %mul3A_127 : i32
      %dma_start3A_129 = arith.constant 0 : i32
      %dma_start3A_130 = tpu.memref_slice %arg4[%add3A_128, %dma_start3A_129] : memref<819200x64xf32, #tpu.memory_space<hbm>> -> memref<128x64xf32, #tpu.memory_space<hbm>>
      %dma_start3A_131 = arith.constant 0 : i32
      %dma_start3A_132 = tpu.memref_slice %arg4[%add3A_128, %dma_start3A_131] : memref<819200x64xf32, #tpu.memory_space<hbm>> -> memref<128x64xf32, #tpu.memory_space<hbm>>
      tpu.enqueue_dma source(%arg10 : memref<128x64xf32, #tpu.memory_space<vmem>>) target(%dma_start3A_132 : memref<128x64xf32, #tpu.memory_space<hbm>>) target_semaphore(%arg16 : memref<!tpu.dma_semaphore, #tpu.memory_space<semaphore_mem>>)
      %dma_wait3A_133 = arith.constant 3 : i32
      %dma_wait3A_134 = arith.constant 0 : i32
      %dma_wait3A_135 = tpu.memref_slice %arg5[%dma_wait3A_133, %dma_wait3A_134] : memref<8x128xi32, #tpu.memory_space<vmem>> -> memref<1x128xi32, #tpu.memory_space<vmem>>
      %dma_wait3A_136 = tpu.memref_squeeze %dma_wait3A_135 : memref<1x128xi32, #tpu.memory_space<vmem>> -> memref<128xi32, #tpu.memory_space<vmem>>
      %dma_wait3A_137 = arith.constant 0 : i32
      %dma_wait3A_138 = arith.constant 0 : i32
      %dma_wait3A_139 = tpu.memref_slice %arg3[%dma_wait3A_137, %dma_wait3A_138] : memref<1000000x128xf32, #tpu.memory_space<hbm>> -> memref<1000000x128xf32, #tpu.memory_space<hbm>>
      tpu.wait_indirect_dma semaphore(%arg15 : memref<!tpu.dma_semaphore, #tpu.memory_space<semaphore_mem>>) src(%dma_wait3A_139 : memref<1000000x128xf32, #tpu.memory_space<hbm>>) dst(%arg9 : memref<128x128xf32, #tpu.memory_space<vmem>>)
      %add3A_140 = arith.constant 3 : i32
      %add3A_141 = arith.addi %add3A_51, %add3A_140 : i32
      %ge3A_142 = arith.constant 2 : i32
      %ge3A_143 = arith.cmpi sge, %add3A_141, %ge3A_142 : i32
      %convert_element_type3A_144 = arith.extui %ge3A_143 : i1 to i32
      %cond3A_145 = arith.constant 0 : i32
      %cond3A_146 = arith.cmpi ne, %convert_element_type3A_144, %cond3A_145 : i32
      scf.if %cond3A_146 {
        %dma_wait3A_167 = arith.constant 0 : i32
        %dma_wait3A_168 = arith.constant 0 : i32
        %dma_wait3A_169 = tpu.memref_slice %arg4[%dma_wait3A_167, %dma_wait3A_168] : memref<819200x64xf32, #tpu.memory_space<hbm>> -> memref<128x64xf32, #tpu.memory_space<hbm>>
        %dma_wait3A_170 = arith.constant 0 : i32
        %dma_wait3A_171 = arith.constant 0 : i32
        %dma_wait3A_172 = tpu.memref_slice %arg4[%dma_wait3A_170, %dma_wait3A_171] : memref<819200x64xf32, #tpu.memory_space<hbm>> -> memref<128x64xf32, #tpu.memory_space<hbm>>
        tpu.wait_dma2 semaphore(%arg17 : memref<!tpu.dma_semaphore, #tpu.memory_space<semaphore_mem>>) src(%arg11 : memref<128x64xf32, #tpu.memory_space<vmem>>) dst(%dma_wait3A_172 : memref<128x64xf32, #tpu.memory_space<hbm>>)
      } else {
      }
      %scan3A_147 = arith.constant 0 : i32
      %scan3A_148 = arith.constant 128 : i32
      %scan3A_149 = arith.addi %scan3A_147, %scan3A_148 : i32
      %scan3A_150 = arith.constant 1 : i32
      scf.for %scan3A_167 = %scan3A_147 to %scan3A_149 step %scan3A_150  : i32 {
        %mul3A_168 = arith.constant 1 : i32
        %mul3A_169 = arith.muli %scan3A_167, %mul3A_168 : i32
        %add3A_170 = arith.constant 0 : i32
        %add3A_171 = arith.addi %add3A_170, %mul3A_169 : i32
        %get3A = arith.index_cast %add3A_171 : i32 to index
        %get3A_172 = arith.constant 0 : index
        %get3A_173 = tpu.vector_load %arg9[%get3A, %get3A_172] {strides = array<i32>} : memref<128x128xf32, #tpu.memory_space<vmem>>, vector<1x16xf32>,
        %get3A_174 = vector.shape_cast %get3A_173 : vector<1x16xf32> to vector<16xf32>
        %swap3A = arith.index_cast %add3A_171 : i32 to index
        %swap3A_175 = arith.constant 0 : index
        %swap3A_176 = tpu.vector_load %arg11[%swap3A, %swap3A_175] {strides = array<i32>} : memref<128x64xf32, #tpu.memory_space<vmem>>, vector<1x16xf32>,
        %swap3A_177 = vector.shape_cast %swap3A_176 : vector<1x16xf32> to vector<16xf32>
        %swap3A_178 = vector.shape_cast %get3A_174 : vector<16xf32> to vector<1x16xf32>
        tpu.vector_store %arg11[%swap3A, %swap3A_175], %swap3A_178 {strides = array<i32>} : memref<128x64xf32, #tpu.memory_space<vmem>>, vector<1x16xf32>,
        %get3A_179 = arith.index_cast %add3A_171 : i32 to index
        %get3A_180 = arith.constant 16 : index
        %get3A_181 = tpu.vector_load %arg9[%get3A_179, %get3A_180] {strides = array<i32>} : memref<128x128xf32, #tpu.memory_space<vmem>>, vector<1x16xf32>,
        %get3A_182 = vector.shape_cast %get3A_181 : vector<1x16xf32> to vector<16xf32>
        %swap3A_183 = arith.index_cast %add3A_171 : i32 to index
        %swap3A_184 = arith.constant 16 : index
        %swap3A_185 = tpu.vector_load %arg11[%swap3A_183, %swap3A_184] {strides = array<i32>} : memref<128x64xf32, #tpu.memory_space<vmem>>, vector<1x16xf32>,
        %swap3A_186 = vector.shape_cast %swap3A_185 : vector<1x16xf32> to vector<16xf32>
        %swap3A_187 = vector.shape_cast %get3A_182 : vector<16xf32> to vector<1x16xf32>
        tpu.vector_store %arg11[%swap3A_183, %swap3A_184], %swap3A_187 {strides = array<i32>} : memref<128x64xf32, #tpu.memory_space<vmem>>, vector<1x16xf32>,
        %get3A_188 = arith.index_cast %add3A_171 : i32 to index
        %get3A_189 = arith.constant 32 : index
        %get3A_190 = tpu.vector_load %arg9[%get3A_188, %get3A_189] {strides = array<i32>} : memref<128x128xf32, #tpu.memory_space<vmem>>, vector<1x16xf32>,
        %get3A_191 = vector.shape_cast %get3A_190 : vector<1x16xf32> to vector<16xf32>
        %swap3A_192 = arith.index_cast %add3A_171 : i32 to index
        %swap3A_193 = arith.constant 32 : index
        %swap3A_194 = tpu.vector_load %arg11[%swap3A_192, %swap3A_193] {strides = array<i32>} : memref<128x64xf32, #tpu.memory_space<vmem>>, vector<1x16xf32>,
        %swap3A_195 = vector.shape_cast %swap3A_194 : vector<1x16xf32> to vector<16xf32>
        %swap3A_196 = vector.shape_cast %get3A_191 : vector<16xf32> to vector<1x16xf32>
        tpu.vector_store %arg11[%swap3A_192, %swap3A_193], %swap3A_196 {strides = array<i32>} : memref<128x64xf32, #tpu.memory_space<vmem>>, vector<1x16xf32>,
        %get3A_197 = arith.index_cast %add3A_171 : i32 to index
        %get3A_198 = arith.constant 48 : index
        %get3A_199 = tpu.vector_load %arg9[%get3A_197, %get3A_198] {strides = array<i32>} : memref<128x128xf32, #tpu.memory_space<vmem>>, vector<1x16xf32>,
        %get3A_200 = vector.shape_cast %get3A_199 : vector<1x16xf32> to vector<16xf32>
        %swap3A_201 = arith.index_cast %add3A_171 : i32 to index
        %swap3A_202 = arith.constant 48 : index
        %swap3A_203 = tpu.vector_load %arg11[%swap3A_201, %swap3A_202] {strides = array<i32>} : memref<128x64xf32, #tpu.memory_space<vmem>>, vector<1x16xf32>,
        %swap3A_204 = vector.shape_cast %swap3A_203 : vector<1x16xf32> to vector<16xf32>
        %swap3A_205 = vector.shape_cast %get3A_200 : vector<16xf32> to vector<1x16xf32>
        tpu.vector_store %arg11[%swap3A_201, %swap3A_202], %swap3A_205 {strides = array<i32>} : memref<128x64xf32, #tpu.memory_space<vmem>>, vector<1x16xf32>,
      }
      %scan3A_151 = arith.constant 128 : i32
      %add3A_152 = arith.constant 3 : i32
      %add3A_153 = arith.addi %add3A_51, %add3A_152 : i32
      %mul3A_154 = arith.constant 128 : i32
      %mul3A_155 = arith.muli %add3A_153, %mul3A_154 : i32
      %add3A_156 = arith.addi %mul3A_4, %mul3A_155 : i32
      %dma_start3A_157 = arith.constant 0 : i32
      %dma_start3A_158 = tpu.memref_slice %arg4[%add3A_156, %dma_start3A_157] : memref<819200x64xf32, #tpu.memory_space<hbm>> -> memref<128x64xf32, #tpu.memory_space<hbm>>
      %dma_start3A_159 = arith.constant 0 : i32
      %dma_start3A_160 = tpu.memref_slice %arg4[%add3A_156, %dma_start3A_159] : memref<819200x64xf32, #tpu.memory_space<hbm>> -> memref<128x64xf32, #tpu.memory_space<hbm>>
      tpu.enqueue_dma source(%arg11 : memref<128x64xf32, #tpu.memory_space<vmem>>) target(%dma_start3A_160 : memref<128x64xf32, #tpu.memory_space<hbm>>) target_semaphore(%arg17 : memref<!tpu.dma_semaphore, #tpu.memory_space<semaphore_mem>>)
      %add3A_161 = arith.constant 4 : i32
      %add3A_162 = arith.addi %add3A_51, %add3A_161 : i32
      %lt3A = arith.constant 200 : i32
      %lt3A_163 = arith.cmpi slt, %add3A_162, %lt3A : i32
      %convert_element_type3A_164 = arith.extui %lt3A_163 : i1 to i32
      %cond3A_165 = arith.constant 0 : i32
      %cond3A_166 = arith.cmpi ne, %convert_element_type3A_164, %cond3A_165 : i32
      scf.if %cond3A_166 {
        %add3A_167 = arith.addi %mul3A_2, %add3A_51 : i32
        %add3A_168 = arith.constant 4 : i32
        %add3A_169 = arith.addi %add3A_167, %add3A_168 : i32
        "tpu.region"() ({
          %run_scoped3A = tpu.sem_alloc : memref<!tpu.dma_semaphore, #tpu.memory_space<semaphore_mem>>
          %dma_start3A_198 = arith.constant 0 : i32
          %dma_start3A_199 = arith.constant 0 : i32
          %dma_start3A_200 = tpu.memref_slice %arg5[%dma_start3A_198, %dma_start3A_199] : memref<8x128xi32, #tpu.memory_space<vmem>> -> memref<4x128xi32, #tpu.memory_space<vmem>>
          %dma_start3A_201 = arith.constant 0 : i32
          %dma_start3A_202 = tpu.memref_slice %arg2[%add3A_169, %dma_start3A_201] : memref<6400x128xi32, #tpu.memory_space<hbm>> -> memref<4x128xi32, #tpu.memory_space<hbm>>
          %dma_start3A_203 = arith.constant 0 : i32
          %dma_start3A_204 = arith.constant 0 : i32
          %dma_start3A_205 = tpu.memref_slice %arg5[%dma_start3A_203, %dma_start3A_204] : memref<8x128xi32, #tpu.memory_space<vmem>> -> memref<4x128xi32, #tpu.memory_space<vmem>>
          %dma_start3A_206 = arith.constant 0 : i32
          %dma_start3A_207 = tpu.memref_slice %arg2[%add3A_169, %dma_start3A_206] : memref<6400x128xi32, #tpu.memory_space<hbm>> -> memref<4x128xi32, #tpu.memory_space<hbm>>
          tpu.enqueue_dma source(%dma_start3A_207 : memref<4x128xi32, #tpu.memory_space<hbm>>) target(%dma_start3A_205 : memref<4x128xi32, #tpu.memory_space<vmem>>) target_semaphore(%run_scoped3A : memref<!tpu.dma_semaphore, #tpu.memory_space<semaphore_mem>>)
          %dma_wait3A_208 = arith.constant 0 : i32
          %dma_wait3A_209 = arith.constant 0 : i32
          %dma_wait3A_210 = tpu.memref_slice %arg5[%dma_wait3A_208, %dma_wait3A_209] : memref<8x128xi32, #tpu.memory_space<vmem>> -> memref<4x128xi32, #tpu.memory_space<vmem>>
          %dma_wait3A_211 = arith.constant 0 : i32
          %dma_wait3A_212 = tpu.memref_slice %arg2[%add3A_169, %dma_wait3A_211] : memref<6400x128xi32, #tpu.memory_space<hbm>> -> memref<4x128xi32, #tpu.memory_space<hbm>>
          %dma_wait3A_213 = arith.constant 0 : i32
          %dma_wait3A_214 = arith.constant 0 : i32
          %dma_wait3A_215 = tpu.memref_slice %arg5[%dma_wait3A_213, %dma_wait3A_214] : memref<8x128xi32, #tpu.memory_space<vmem>> -> memref<4x128xi32, #tpu.memory_space<vmem>>
          %dma_wait3A_216 = arith.constant 0 : i32
          %dma_wait3A_217 = tpu.memref_slice %arg2[%add3A_169, %dma_wait3A_216] : memref<6400x128xi32, #tpu.memory_space<hbm>> -> memref<4x128xi32, #tpu.memory_space<hbm>>
          tpu.wait_dma2 semaphore(%run_scoped3A : memref<!tpu.dma_semaphore, #tpu.memory_space<semaphore_mem>>) src(%dma_wait3A_217 : memref<4x128xi32, #tpu.memory_space<hbm>>) dst(%dma_wait3A_215 : memref<4x128xi32, #tpu.memory_space<vmem>>)
          tpu.yield
        }) : () -> ()
        %dma_start3A_170 = arith.constant 0 : i32
        %dma_start3A_171 = arith.constant 0 : i32
        %dma_start3A_172 = tpu.memref_slice %arg5[%dma_start3A_170, %dma_start3A_171] : memref<8x128xi32, #tpu.memory_space<vmem>> -> memref<1x128xi32, #tpu.memory_space<vmem>>
        %dma_start3A_173 = tpu.memref_squeeze %dma_start3A_172 : memref<1x128xi32, #tpu.memory_space<vmem>> -> memref<128xi32, #tpu.memory_space<vmem>>
        %dma_start3A_174 = arith.constant 0 : i32
        %dma_start3A_175 = arith.constant 0 : i32
        %dma_start3A_176 = tpu.memref_slice %arg3[%dma_start3A_174, %dma_start3A_175] : memref<1000000x128xf32, #tpu.memory_space<hbm>> -> memref<1000000x128xf32, #tpu.memory_space<hbm>>
        tpu.enqueue_indirect_dma source(%dma_start3A_176 : memref<1000000x128xf32, #tpu.memory_space<hbm>>) target(%arg6 : memref<128x128xf32, #tpu.memory_space<vmem>>) offsets(%dma_start3A_173 : memref<128xi32, #tpu.memory_space<vmem>>) semaphore(%arg12 : memref<!tpu.dma_semaphore, #tpu.memory_space<semaphore_mem>>)
        %dma_start3A_177 = arith.constant 1 : i32
        %dma_start3A_178 = arith.constant 0 : i32
        %dma_start3A_179 = tpu.memref_slice %arg5[%dma_start3A_177, %dma_start3A_178] : memref<8x128xi32, #tpu.memory_space<vmem>> -> memref<1x128xi32, #tpu.memory_space<vmem>>
        %dma_start3A_180 = tpu.memref_squeeze %dma_start3A_179 : memref<1x128xi32, #tpu.memory_space<vmem>> -> memref<128xi32, #tpu.memory_space<vmem>>
        %dma_start3A_181 = arith.constant 0 : i32
        %dma_start3A_182 = arith.constant 0 : i32
        %dma_start3A_183 = tpu.memref_slice %arg3[%dma_start3A_181, %dma_start3A_182] : memref<1000000x128xf32, #tpu.memory_space<hbm>> -> memref<1000000x128xf32, #tpu.memory_space<hbm>>
        tpu.enqueue_indirect_dma source(%dma_start3A_183 : memref<1000000x128xf32, #tpu.memory_space<hbm>>) target(%arg7 : memref<128x128xf32, #tpu.memory_space<vmem>>) offsets(%dma_start3A_180 : memref<128xi32, #tpu.memory_space<vmem>>) semaphore(%arg13 : memref<!tpu.dma_semaphore, #tpu.memory_space<semaphore_mem>>)
        %dma_start3A_184 = arith.constant 2 : i32
        %dma_start3A_185 = arith.constant 0 : i32
        %dma_start3A_186 = tpu.memref_slice %arg5[%dma_start3A_184, %dma_start3A_185] : memref<8x128xi32, #tpu.memory_space<vmem>> -> memref<1x128xi32, #tpu.memory_space<vmem>>
        %dma_start3A_187 = tpu.memref_squeeze %dma_start3A_186 : memref<1x128xi32, #tpu.memory_space<vmem>> -> memref<128xi32, #tpu.memory_space<vmem>>
        %dma_start3A_188 = arith.constant 0 : i32
        %dma_start3A_189 = arith.constant 0 : i32
        %dma_start3A_190 = tpu.memref_slice %arg3[%dma_start3A_188, %dma_start3A_189] : memref<1000000x128xf32, #tpu.memory_space<hbm>> -> memref<1000000x128xf32, #tpu.memory_space<hbm>>
        tpu.enqueue_indirect_dma source(%dma_start3A_190 : memref<1000000x128xf32, #tpu.memory_space<hbm>>) target(%arg8 : memref<128x128xf32, #tpu.memory_space<vmem>>) offsets(%dma_start3A_187 : memref<128xi32, #tpu.memory_space<vmem>>) semaphore(%arg14 : memref<!tpu.dma_semaphore, #tpu.memory_space<semaphore_mem>>)
        %dma_start3A_191 = arith.constant 3 : i32
        %dma_start3A_192 = arith.constant 0 : i32
        %dma_start3A_193 = tpu.memref_slice %arg5[%dma_start3A_191, %dma_start3A_192] : memref<8x128xi32, #tpu.memory_space<vmem>> -> memref<1x128xi32, #tpu.memory_space<vmem>>
        %dma_start3A_194 = tpu.memref_squeeze %dma_start3A_193 : memref<1x128xi32, #tpu.memory_space<vmem>> -> memref<128xi32, #tpu.memory_space<vmem>>
        %dma_start3A_195 = arith.constant 0 : i32
        %dma_start3A_196 = arith.constant 0 : i32
        %dma_start3A_197 = tpu.memref_slice %arg3[%dma_start3A_195, %dma_start3A_196] : memref<1000000x128xf32, #tpu.memory_space<hbm>> -> memref<1000000x128xf32, #tpu.memory_space<hbm>>
        tpu.enqueue_indirect_dma source(%dma_start3A_197 : memref<1000000x128xf32, #tpu.memory_space<hbm>>) target(%arg9 : memref<128x128xf32, #tpu.memory_space<vmem>>) offsets(%dma_start3A_194 : memref<128xi32, #tpu.memory_space<vmem>>) semaphore(%arg15 : memref<!tpu.dma_semaphore, #tpu.memory_space<semaphore_mem>>)
      } else {
      }
    }
    %scan3A_35 = arith.constant 50 : i32
    %dma_wait3A = arith.constant 0 : i32
    %dma_wait3A_36 = arith.constant 0 : i32
    %dma_wait3A_37 = tpu.memref_slice %arg4[%dma_wait3A, %dma_wait3A_36] : memref<819200x64xf32, #tpu.memory_space<hbm>> -> memref<128x64xf32, #tpu.memory_space<hbm>>
    %dma_wait3A_38 = arith.constant 0 : i32
    %dma_wait3A_39 = arith.constant 0 : i32
    %dma_wait3A_40 = tpu.memref_slice %arg4[%dma_wait3A_38, %dma_wait3A_39] : memref<819200x64xf32, #tpu.memory_space<hbm>> -> memref<128x64xf32, #tpu.memory_space<hbm>>
    tpu.wait_dma2 semaphore(%arg16 : memref<!tpu.dma_semaphore, #tpu.memory_space<semaphore_mem>>) src(%arg10 : memref<128x64xf32, #tpu.memory_space<vmem>>) dst(%dma_wait3A_40 : memref<128x64xf32, #tpu.memory_space<hbm>>)
    %dma_wait3A_41 = arith.constant 0 : i32
    %dma_wait3A_42 = arith.constant 0 : i32
    %dma_wait3A_43 = tpu.memref_slice %arg4[%dma_wait3A_41, %dma_wait3A_42] : memref<819200x64xf32, #tpu.memory_space<hbm>> -> memref<128x64xf32, #tpu.memory_space<hbm>>
    %dma_wait3A_44 = arith.constant 0 : i32
    %dma_wait3A_45 = arith.constant 0 : i32
    %dma_wait3A_46 = tpu.memref_slice %arg4[%dma_wait3A_44, %dma_wait3A_45] : memref<819200x64xf32, #tpu.memory_space<hbm>> -> memref<128x64xf32, #tpu.memory_space<hbm>>
    tpu.wait_dma2 semaphore(%arg17 : memref<!tpu.dma_semaphore, #tpu.memory_space<semaphore_mem>>) src(%arg11 : memref<128x64xf32, #tpu.memory_space<vmem>>) dst(%dma_wait3A_46 : memref<128x64xf32, #tpu.memory_space<hbm>>)
    return
  }
}

</mosaic_0001>

<sc_bundles>
// kernel: kernel.3.cloned.1.call-start
scs
__scs_entry_jumppad:
0x0: {  	(pc) =	sbr.rel $0x88, $3  }
0x1: {  	(tag) =	ssettag $0x0;
	lr =	simm.s32 $0x1  }
0x2: {  	[smem:$0x3F9F] =	sst lr;
	_ =	strace $0xD0000000  }
0x3: {  	_ = 	snop  }
0x4: {  	_ = 	snop  }
0x5: {  	_ = 	snop  }
0x6: {  	_ = 	snop  }
0x7: {  	_ = 	snop  }
__scs_overlays_trampoline_lowered:
0x8: {  	[smem:$0x3FAE] =	sst s0  }
0x9: {  	[smem:$0x3FAF] =	sst s1  }
0xa: {  	[smem:$0x3FB0] =	sst s2  }
0xb: {  	[smem:$0x3FB1] =	sst s3  }
0xc: {  	[smem:$0x3FB2] =	sst s4  }
0xd: {  	[smem:$0x3FB3] =	sst s5  }
0xe: {  	[smem:$0x3FB4] =	sst s6  }
0xf: {  	[smem:$0x3FB5] =	sst s7  }
0x10: {  	[smem:$0x3FB6] =	sst s8  }
0x11: {  	[smem:$0x3FB7] =	sst s9;
	s0 =	simm.s32 @!p0 $0x0  }
0x12: {  	s1 =	sld [smem:$0x3F9D];
	s0 =	simm.s32 @p0 $0x1  }
0x13: {  	[smem:$0x3FB8] =	sst s0;
	s0 =	simm.s32 @!p1 $0x0  }
0x14: {  	s2 =	sld [smem:$0x3F9C];
	s0 =	simm.s32 @p1 $0x1  }
0x15: {  	[smem:$0x3FB9] =	sst s0;
	s0 =	simm.s32 @!p2 $0x0  }
0x16: {  	s3 =	sld [smem:$0x3FDB];
	s0 =	simm.s32 @p2 $0x1  }
0x17: {  	s4 =	simm.s32 $0x1BF5;
	[smem:$0x3FBB] =	sst s0  }
0x18: {  	s0 =	sld [smem:$0x3F9E];
	_ =	swait.ge [sflag:s4], $0x0  }
0x19: {  	s7 =	sld [smem:$0x3F9F]  }
0x1a: {  	s8 =	sadd.s32 $0xFFFFE003, lr  }
0x1b: {  	s9 =	sadd.s32 $0xFFFFFEF7, lr;
	s5 =	simm.s32 $0xFFFFFFFF;
	p2 =	slt.u32 s8, $0xFFFFF086  }
0x1c: {  	p1 =	slt.u32 s9, $0xF7A;
	s5 =	simm.s32 @!p2 $0x0  }
0x1d: {  	s5 =	simm.s32 @p1 $0x1;
	p0 =	seq.s32 s7, s2  }
0x1e: {  	s7 =	smul.u32 @!p0 $0xF7A, s2;
	p2 =	seq.s32 @!p0 s5, $0x0  }
0x1f: {  	s9 =	smul.u32 $0xF7A, s1;
	s8 =	simm.s32 @!p0 $0x1BF5;
	p2 =	por !p2, p0  }
0x20: {  	[sflag:s8] =	ssyncset.s32 @!p0 $0xFFFFF086;
	s6 =	sadd.s32 @!p0 s3, s7;
	s7 =	simm.s32 @!p0 $0x108  }
0x21: {  	s3 =	sadd.s32 s3, s9;
	s6 =	sadd.s32 @!p0 $0x88, s6;
	s7 =	simm.s32 @p2 $0x1082  }
0x22: {  	[simem:s7], [sflag:s8] =	dma.local @!p0 [hbm:s6], $0xF7A  }
0x23: {  	s9 =	sor.u32 $0xD0000000, s2;
	s6 =	simm.s32 $0x108;
	_ =	swait.ge @!p0 [sflag:s8], $0x0  }
0x24: {  	s3 =	sadd.s32 $0x88, s3;
	s6 =	simm.s32 @!p1 $0x1082;
	[sflag:s4] =	ssyncset.s32 $0xFFFFF086  }
0x25: {  	[simem:s6], [sflag:s4] =	dma.local [hbm:s3], $0xF7A  }
0x26: {  	[smem:$0x3F9F] =	sst s1;
	(tag) =	ssettag s2;
	_ =	strace s9  }
0x27: {  	s1 =	sld [smem:$0x3FAF]  }
0x28: {  	s2 =	sld [smem:$0x3FB0]  }
0x29: {  	s4 =	sld [smem:$0x3FB2]  }
0x2a: {  	p0 =	seq.s32 s5, $0x0;
	s5 =	sld [smem:$0x3FB3]  }
0x2b: {  	s6 =	sld [smem:$0x3FB4]  }
0x2c: {  	s7 =	sld [smem:$0x3FB5]  }
0x2d: {  	s3 =	simm.s32 $0x108;
	s8 =	sld [smem:$0x3FB6]  }
0x2e: {  	s3 =	simm.s32 @!p0 $0x1082;
	s9 =	sld [smem:$0x3FB7]  }
0x2f: {  	lr =	sadd.s32 s0, s3;
	s0 =	sld [smem:$0x3FAE]  }
0x30: {  	s3 =	sld [smem:$0x3FB1]  }
0x31: {  	[smem:$0x3FBA] =	sst s10  }
0x32: {  	s10 =	sld [smem:$0x3FB8];
	_ =	sdelay $0x3  }
0x33: {  	p0 =	seq.s32 s10, $0x1;
	s10 =	sld [smem:$0x3FBA];
	_ =	sdelay $0x3  }
0x34: {  	[smem:$0x3FBA] =	sst s10  }
0x35: {  	s10 =	sld [smem:$0x3FB9];
	_ =	sdelay $0x3  }
0x36: {  	p1 =	seq.s32 s10, $0x1;
	s10 =	sld [smem:$0x3FBA];
	_ =	sdelay $0x3  }
0x37: {  	[smem:$0x3FBA] =	sst s10  }
0x38: {  	s10 =	sld [smem:$0x3FBB]  }
0x39: {  	_ = 	snop;
	(pc) =	sbr.ind lr, $3  }
0x3a: {  	_ = 	snop  }
0x3b: {  	_ = 	snop  }
0x3c: {  	p2 =	seq.s32 s10, $0x1;
	s10 =	sld [smem:$0x3FBA]  }
0x3d: {  	_ =	shalt  }
0x3e: {  	_ =	shalt  }
0x3f: {  	_ =	shalt  }
0x40: {  	_ =	shalt  }
0x41: {  	_ =	shalt  }
0x42: {  	_ =	shalt  }
0x43: {  	_ =	shalt  }
0x44: {  	_ =	shalt  }
0x45: {  	_ =	shalt  }
0x46: {  	_ =	shalt  }
0x47: {  	_ =	shalt  }
0x48: {  	_ =	shalt  }
0x49: {  	_ =	shalt  }
0x4a: {  	_ =	shalt  }
0x4b: {  	_ =	shalt  }
0x4c: {  	_ =	shalt  }
0x4d: {  	_ =	shalt  }
0x4e: {  	_ =	shalt  }
0x4f: {  	_ =	shalt  }
0x50: {  	_ =	shalt  }
0x51: {  	_ =	shalt  }
0x52: {  	_ =	shalt  }
0x53: {  	_ =	shalt  }
0x54: {  	_ =	shalt  }
0x55: {  	_ =	shalt  }
0x56: {  	_ =	shalt  }
0x57: {  	_ =	shalt  }
0x58: {  	_ =	shalt  }
0x59: {  	_ =	shalt  }
0x5a: {  	_ =	shalt  }
0x5b: {  	_ =	shalt  }
0x5c: {  	_ =	shalt  }
0x5d: {  	_ =	shalt  }
0x5e: {  	_ =	shalt  }
0x5f: {  	_ =	shalt  }
0x60: {  	_ =	shalt  }
0x61: {  	_ =	shalt  }
0x62: {  	_ =	shalt  }
0x63: {  	_ =	shalt  }
0x64: {  	_ =	shalt  }
0x65: {  	_ =	shalt  }
0x66: {  	_ =	shalt  }
0x67: {  	_ =	shalt  }
0x68: {  	_ =	shalt  }
0x69: {  	_ =	shalt  }
0x6a: {  	_ =	shalt  }
0x6b: {  	_ =	shalt  }
0x6c: {  	_ =	shalt  }
0x6d: {  	_ =	shalt  }
0x6e: {  	_ =	shalt  }
0x6f: {  	_ =	shalt  }
0x70: {  	_ =	shalt  }
0x71: {  	_ =	shalt  }
0x72: {  	_ =	shalt  }
0x73: {  	_ =	shalt  }
0x74: {  	_ =	shalt  }
0x75: {  	_ =	shalt  }
0x76: {  	_ =	shalt  }
0x77: {  	_ =	shalt  }
0x78: {  	_ =	shalt  }
0x79: {  	_ =	shalt  }
0x7a: {  	_ =	shalt  }
0x7b: {  	_ =	shalt  }
0x7c: {  	_ =	shalt  }
0x7d: {  	_ =	shalt  }
0x7e: {  	_ =	shalt  }
0x7f: {  	_ =	shalt  }
0x80: {  	_ =	shalt  }
0x81: {  	_ =	shalt  }
0x82: {  	_ =	shalt  }
0x83: {  	_ =	shalt  }
0x84: {  	_ =	shalt  }
0x85: {  	_ =	shalt  }
0x86: {  	_ =	shalt  }
0x87: {  	_ =	shalt  }
.Lfunc_end0:
.L_simem_size_0:
called_computation.1_lowered:
.L_overlay_start_0:
0x88: {  	s2 =	sld [smem:$0x3FD9]  }
0x89: {  	s3 =	sld [smem:$0x3FFE];
	_ =	sdelay $0x1  }
0x8a: {  	s1 =	srdreg.scid  }
0x8b: {  	s0 =	sand.u32 $0x1, s1  }
0x8c: {  	s17 =	sshll.u32 s0, $0xA;
	s2 =	sadd.s32 s3, s2  }
0x8d: {  	s2 =	sadd.s32 s2, s17  }
0x8e: {  	[smem:$0x3FC6] =	sst s2  }
0x8f: {  	_ = 	snop  }
0x90: {  	s2 =	sld [smem:$0x3FD0];
	(tm) =	ssettm $0x1  }
0x91: {  	s18 =	sld [smem:$0x3FFB];
	_ =	sdelay $0x3  }
0x92: {  	_ =	strace s18  }
0x93: {  	s3 =	sld [smem:$0x3FFC];
	_ =	sdelay $0x3  }
0x94: {  	_ =	strace s3  }
0x95: {  	s3 =	sld [smem:$0x3FFD];
	_ =	sdelay $0x3  }
0x96: {  	_ =	strace s3  }
0x97: {  	_ =	strace $0x8FFFFFFF  }
0x98: {  	s19 =	sld [smem:$0x3FDB];
	_ =	sdelay $0x1  }
0x99: {  	s4 =	simm.s32 $_scs_section_size  }
0x9a: {  	s5 =	simm.s32 $_size__tile_overlayer_lowered;
	s6 =	simm.s32 $_tile_overlayer_lowered  }
0x9b: {  	s22 =	simm.s32 $0x1BFF;
	s21 =	sshll.u32 s6, $0x1;
	s3 =	sadd.s32 s4, s19  }
0x9c: {  	s7 =	simm.s32 $0x0;
	s20 =	sshll.u32 s5, $0x1;
	s5 =	sadd.s32 s21, s3  }
0x9d: {  	[timem:s7], [sflag:s22] =	dma.local [hbm:s5], s20  }
0x9e: {  	_ =	swait.ge [sflag:s22], s20  }
0x9f: {  	s4 =	ssub.s32 $0x0, s20;
	[sflag:s22] =	ssyncset.done $0x0  }
0xa0: {  	[sflag:s22] =	ssyncadd.s32 s4;
	_ =	sdelay $0x1  }
0xa1: {  	s23 =	simm.s32 $0x1B8B  }
0xa2: {  	_ =	swait.ge [sflag:s23], $0x1  }
0xa3: {  	[sflag:s23] =	ssyncset.done $0x0  }
0xa4: {  	s25 =	simm.s32 $0x1B8E;
	s24 =	sld [smem:$0x3FFE];
	[sflag:s23] =	ssyncadd.s32 $0xFFFFFFFF  }
0xa5: {  	s26 =	simm.s32 $execute0_lowered;
	[smem:$0x3FD2] =	sst s25  }
0xa6: {  	s5 =	sshll.u32 s26, $0x1;
	_ =	strace $0x80000046;
	[dreg:$0x1] =	wrdreg $0xFFFFFFFF  }
0xa7: {  	s28 =	simm.s32 $_size_execute0_lowered;
	s3 =	sadd.s32 s3, s5;
	[dreg:$0x0] =	wrdreg $0x0  }
0xa8: {  	s5 =	sshll.u32 s28, $0x1;
	[dreg:$0x2] =	wrdreg s3  }
0xa9: {  	[dreg:$0x3] =	wrdreg s5  }
0xaa: {  	[dreg:$0x4] =	wrdreg $0xC0  }
0xab: {  	_ =	task [dreg:s7], $0x5FFFF  }
0xac: {  	[dreg:$0x1] =	wrdreg $0xFFFFFFFF  }
0xad: {  	[dreg:$0x0] =	wrdreg $0x60  }
0xae: {  	[dreg:$0x2] =	wrdreg s2  }
0xaf: {  	[dreg:$0x3] =	wrdreg s24  }
0xb0: {  	[dreg:$0x4] =	wrdreg $0x9  }
0xb1: {  	_ =	task.clear_ibuf [dreg:s7], $0x5FFFF;
	_ =	strace $0x90000046  }
0xb2: {  	s29 =	simm.s32 $0x9;
	_ =	strace $0x80000048  }
0xb3: {  	_ =	swait.ge [sflag:s29], $0x1  }
0xb4: {  	[sflag:s29] =	ssyncadd.s32 $0xFFFFFFFF  }
0xb5: {  	_ =	strace $0x90000048  }
0xb6: {  	_ =	sfence  }
0xb7: {  	s30 =	sld [smem:$0x0];
	_ =	sdelay $0x2  }
0xb8: {  	s31 =	sshll.u32 s1, $0xD;
	s1 =	sshrl.u32 s1, $0x2  }
0xb9: {  	s3 =	sand.u32 $0x4000, s31;
	s1 =	sadd.s32 s1, s30  }
0xba: {  	s0 =	sor.u32 s3, s0;
	s1 =	sshll.u32 s1, $0x11  }
0xbb: {  	s0 =	sor.u32 s1, s0  }
0xbc: {  	s0 =	sadd.s32 $0x8F2B, s0  }
0xbd: {  	[sflag:s0] =	ssyncadd.remote.s32 $0x1  }
0xbe: {  	_ =	sfence.sel $0xFFFF  }
0xbf: {  	[dreg:$0x0] =	wrdreg $0xFFFFFFFF;
	(pc) =	sbr.abs _section_cstart, $3  }
0xc0: {  	[dreg:$0x1] =	wrdreg $0xFFFFFFFF  }
0xc1: {  	_ =	task.clear_ibuf [dreg:s7], $0x2FFFF;
	_ =	strace $0x9FFFFFFF  }
0xc2: {  	(tm) =	ssettm $0x7FFFFFFF  }
0xc3: {  	_ =	shalt  }
tec
execute0_lowered:
.L_overlay_start_1:
0x0: {  	(tag) =	ssettag $0x1  }
0x1: {  	s0 =	rddreg [dreg:$0x0];
	s1 =	srdreg.scid  }
0x2: {  	s2 =	stileid.u32;
	s4 =	rddreg [dreg:$0x1]  }
0x3: {  	s12 =	simm.s32 $0x7;
	s13 =	simm.s32 $0x80;
	s14 =	simm.s32 $0x400  }
0x4: {  	s15 =	simm.s32 $0x4400;
	s16 =	simm.s32 $0x100;
	s17 =	simm.s32 $0x8400  }
0x5: {  	s18 =	simm.s32 $0x180;
	s19 =	simm.s32 $0xC400;
	s20 =	simm.s32 $0x1  }
0x6: {  	s21 =	simm.s32 $0x10400;
	s22 =	simm.s32 $0x2;
	s23 =	simm.s32 $0x14400  }
0x7: {  	s24 =	simm.s32 $0x3;
	s25 =	simm.s32 $0x5;
	s26 =	simm.s32 $0x4  }
0x8: {  	s28 =	simm.s32 $0x6;
	s1 =	sand.u32 $0x1, s1;
	s3 =	sshll.u32 s2, $0x1  }
0x9: {  	s29 =	simm.s32 $0x0;
	s2 =	simm.s32 $0x0;
	s6 =	sor.u32 s1, s3  }
0xa: {  	[smem:$0x7FF] =	sst s2;
	s1 =	ssub.s32 $0x2, s1;
	s7 =	smul.u32 $0xC80, s6  }
.Ltmp0:
0xb: {  	s3 =	sadd.s32 $0xF42E00, s4;
	s4 =	sadd.s32 $0xA00, s4;
	(pc) =	sbr.rel .LBB2_1-.Ltmp0, $4  }
0xc: {  	s9 =	smul.u32 $0x6400, s6;
	_ =	strace $0x80000047;
	s5 =	sshrl.u32 s1, $0x1  }
0xd: {  	s6 =	smul.u32 $0x320000, s6;
	s1 =	ssub.s32 s1, s5;
	s5 =	sadd.s32 s0, s7  }
0xe: {  	s7 =	sor.u32 $0x80, s9;
	s8 =	sor.u32 $0x100, s9;
	s31 =	smax.u32 s1, $0x1  }
0xf: {  	s9 =	sor.u32 $0x180, s9;
	[dreg:$0x3] =	wrdreg s31;
	s11 =	sadd.s32 $0x40, s5  }
.LBB2_12:
0x10: {  	_ =	swait.ge [sflag:s25], $0x4000  }
0x11: {  	[sflag:s25] =	ssyncset.done $0x0  }
0x12: {  	[sflag:s25] =	ssyncadd.s32 $0xFFFFC000  }
0x13: {  	_ =	swait.ge [sflag:s28], $0x4000  }
0x14: {  	s29 =	sadd.s32 $0x1, s29;
	s0 =	rddreg [dreg:$0x3]  }
0x15: {  	p0 =	sne.s32 s29, s0  }
.Ltmp1:
0x16: {  	_ = 	snop;
	(pc) =	sbr.rel @!p0 .LBB2_13-.Ltmp1, $3  }
0x17: {  	_ =	sdelay $0x1  }
0x18: {  	[sflag:s28] =	ssyncset.done $0x0  }
0x19: {  	[sflag:s28] =	ssyncadd.s32 $0xFFFFC000  }
.LBB2_1:
0x1a: {  	[tilespmem:s2], [sflag:$0x7] =	stream.linear.gather [hbm4b:s5+s2], $0x200, $0x38;
	[tilespmem:$0x18400] =	vst v63  }
0x1b: {  	_ =	swait.ge [sflag:s12], $0x200  }
0x1c: {  	[sflag:s12] =	ssyncset.done $0x0  }
0x1d: {  	[sflag:s12] =	ssyncadd.s32 $0xFFFFFE00  }
0x1e: {  	[tilespmem:s14], [sflag:$0x1] =	stream.indirect.gather [hbm4b:s3+s13], $0x80, s2, s13, $0xb8;
	[tilespmem:$0x18400] =	vst v63  }
0x1f: {  	_ = 	snop  }
0x20: {  	[tilespmem:s15], [sflag:$0x2] =	stream.indirect.gather [hbm4b:s3+s13], $0x80, s13, s13, $0xb8;
	[tilespmem:$0x18400] =	vst v63  }
0x21: {  	_ = 	snop  }
0x22: {  	[tilespmem:s17], [sflag:$0x3] =	stream.indirect.gather [hbm4b:s3+s13], $0x80, s16, s13, $0xb8;
	[tilespmem:$0x18400] =	vst v63  }
0x23: {  	s30 =	simm.s32 $0x0  }
0x24: {  	[tilespmem:s19], [sflag:$0x4] =	stream.indirect.gather [hbm4b:s3+s13], $0x80, s18, s13, $0xb8;
	[tilespmem:$0x18400] =	vst v63  }
.LBB2_2:
0x25: {  	_ =	swait.ge [sflag:s20], $0x4000  }
0x26: {  	p0 =	seq.s32 s30, $0x0;
	[sflag:s20] =	ssyncset.done $0x0  }
0x27: {  	s0 =	simm.s32 @!p0 $0x5;
	[sflag:s20] =	ssyncadd.s32 $0xFFFFC000  }
0x28: {  	_ =	swait.ge @!p0 [sflag:s0], $0x4000  }
0x29: {  	[sflag:s0] =	ssyncset.done @!p0 $0x0  }
0x2a: {  	s31 =	simm.s32 $0x0;
	[sflag:s0] =	ssyncadd.s32 @!p0 $0xFFFFC000  }
0x2b: {  	v3 =	vld [tilespmem:s31+$0x430]  }
0x2c: {  	v1 =	vld [tilespmem:s31+$0x400]  }
0x2d: {  	v0 =	vld [tilespmem:s31+$0x410]  }
0x2e: {  	s1 =	simm.s32 $0x200;
	v2 =	vld [tilespmem:s31+$0x420]  }
.LBB2_3:
0x2f: {  	p1 =	sne.s32 s1, $0xFE00  }
.Ltmp2:
0x30: {  	s0 =	sshra.s32 s1, $0x2;
	s1 =	sadd.s32 $0x200, s1;
	[tilespmem:s31+$0x10430] =	vst v3;
	(pc) =	sbr.rel @p1 .LBB2_3-.Ltmp2, $4  }
0x31: {  	v3 =	vld [tilespmem:s0+$0x430];
	[tilespmem:s31+$0x10400] =	vst v1  }
0x32: {  	v1 =	vld [tilespmem:s0+$0x400];
	[tilespmem:s31+$0x10410] =	vst v0  }
0x33: {  	v0 =	vld [tilespmem:s0+$0x410];
	[tilespmem:s31+$0x10420] =	vst v2;
	s31 =	smov.u32 s0  }
0x34: {  	v2 =	vld [tilespmem:s31+$0x420]  }
0x35: {  	_ = 	snop  }
0x36: {  	s0 =	sshll.u32 s30, $0x10;
	[tilespmem:s31+$0x10430] =	vst v3  }
0x37: {  	s0 =	sadd.s32 s6, s0;
	[tilespmem:s31+$0x10400] =	vst v1  }
0x38: {  	s0 =	sshrl.u32 s0, $0x3;
	[tilespmem:s31+$0x10410] =	vst v0  }
0x39: {  	s0 =	sadd.s32 s4, s0;
	[tilespmem:s31+$0x10420] =	vst v2  }
0x3a: {  	[hbm4b:s0+s2] =	stream.linear.scatter [tilespmem:s21], [sflag:$0x5], $0x4000, $0x38;
	[tilespmem:$0x18400] =	vst v63  }
0x3b: {  	_ =	swait.ge [sflag:s22], $0x4000  }
0x3c: {  	[sflag:s22] =	ssyncset.done $0x0  }
0x3d: {  	s0 =	simm.s32 @!p0 $0x6;
	[sflag:s22] =	ssyncadd.s32 $0xFFFFC000  }
0x3e: {  	_ =	swait.ge @!p0 [sflag:s0], $0x4000  }
0x3f: {  	[sflag:s0] =	ssyncset.done @!p0 $0x0  }
0x40: {  	s1 =	simm.s32 $0x0;
	[sflag:s0] =	ssyncadd.s32 @!p0 $0xFFFFC000  }
0x41: {  	v3 =	vld [tilespmem:s1+$0x4430]  }
0x42: {  	v1 =	vld [tilespmem:s1+$0x4400]  }
0x43: {  	v0 =	vld [tilespmem:s1+$0x4410]  }
0x44: {  	s31 =	simm.s32 $0x200;
	v2 =	vld [tilespmem:s1+$0x4420]  }
.LBB2_5:
0x45: {  	p0 =	sne.s32 s31, $0xFE00  }
.Ltmp3:
0x46: {  	s0 =	sshra.s32 s31, $0x2;
	s31 =	sadd.s32 $0x200, s31;
	[tilespmem:s1+$0x14430] =	vst v3;
	(pc) =	sbr.rel @p0 .LBB2_5-.Ltmp3, $4  }
0x47: {  	v3 =	vld [tilespmem:s0+$0x4430];
	[tilespmem:s1+$0x14400] =	vst v1  }
0x48: {  	v1 =	vld [tilespmem:s0+$0x4400];
	[tilespmem:s1+$0x14410] =	vst v0  }
0x49: {  	v0 =	vld [tilespmem:s0+$0x4410];
	[tilespmem:s1+$0x14420] =	vst v2;
	s1 =	smov.u32 s0  }
0x4a: {  	v2 =	vld [tilespmem:s1+$0x4420]  }
0x4b: {  	_ = 	snop  }
0x4c: {  	s31 =	sshll.u32 s30, $0x9;
	[tilespmem:s1+$0x14430] =	vst v3  }
0x4d: {  	s0 =	sadd.s32 s31, s7;
	[tilespmem:s1+$0x14400] =	vst v1  }
0x4e: {  	s0 =	sshll.u32 s0, $0x4;
	[tilespmem:s1+$0x14410] =	vst v0  }
0x4f: {  	s10 =	simm.s32 $0x0;
	s0 =	sadd.s32 s4, s0;
	[tilespmem:s1+$0x14420] =	vst v2  }
0x50: {  	[hbm4b:s0+s10] =	stream.linear.scatter [tilespmem:s23], [sflag:$0x6], $0x4000, $0x38;
	[tilespmem:$0x18400] =	vst v63  }
0x51: {  	_ =	swait.ge [sflag:s24], $0x4000  }
0x52: {  	[sflag:s24] =	ssyncset.done $0x0  }
0x53: {  	[sflag:s24] =	ssyncadd.s32 $0xFFFFC000  }
0x54: {  	_ =	swait.ge [sflag:s25], $0x4000  }
0x55: {  	[sflag:s25] =	ssyncset.done $0x0  }
0x56: {  	s1 =	simm.s32 $0x0;
	[sflag:s25] =	ssyncadd.s32 $0xFFFFC000  }
0x57: {  	v1 =	vld [tilespmem:s1+$0x8430]  }
0x58: {  	v2 =	vld [tilespmem:s1+$0x8400]  }
0x59: {  	v0 =	vld [tilespmem:s1+$0x8410]  }
0x5a: {  	s0 =	simm.s32 $0x200;
	v3 =	vld [tilespmem:s1+$0x8420]  }
.LBB2_7:
0x5b: {  	p0 =	sne.s32 s0, $0xFE00  }
.Ltmp4:
0x5c: {  	s10 =	sshra.s32 s0, $0x2;
	s0 =	sadd.s32 $0x200, s0;
	[tilespmem:s1+$0x10430] =	vst v1;
	(pc) =	sbr.rel @p0 .LBB2_7-.Ltmp4, $4  }
0x5d: {  	v1 =	vld [tilespmem:s10+$0x8430];
	[tilespmem:s1+$0x10400] =	vst v2  }
0x5e: {  	v2 =	vld [tilespmem:s10+$0x8400];
	[tilespmem:s1+$0x10410] =	vst v0  }
0x5f: {  	v0 =	vld [tilespmem:s10+$0x8410];
	[tilespmem:s1+$0x10420] =	vst v3;
	s1 =	smov.u32 s10  }
0x60: {  	v3 =	vld [tilespmem:s1+$0x8420]  }
0x61: {  	_ = 	snop  }
0x62: {  	[tilespmem:s1+$0x10430] =	vst v1  }
0x63: {  	s0 =	sadd.s32 s31, s8;
	[tilespmem:s1+$0x10400] =	vst v2  }
0x64: {  	s0 =	sshll.u32 s0, $0x4;
	[tilespmem:s1+$0x10410] =	vst v0  }
0x65: {  	s10 =	simm.s32 $0x0;
	s0 =	sadd.s32 s4, s0;
	[tilespmem:s1+$0x10420] =	vst v3  }
0x66: {  	[hbm4b:s0+s10] =	stream.linear.scatter [tilespmem:s21], [sflag:$0x5], $0x4000, $0x38;
	[tilespmem:$0x18400] =	vst v63  }
0x67: {  	_ =	swait.ge [sflag:s26], $0x4000  }
0x68: {  	[sflag:s26] =	ssyncset.done $0x0  }
0x69: {  	[sflag:s26] =	ssyncadd.s32 $0xFFFFC000  }
0x6a: {  	_ =	swait.ge [sflag:s28], $0x4000  }
0x6b: {  	[sflag:s28] =	ssyncset.done $0x0  }
0x6c: {  	s1 =	simm.s32 $0x0;
	[sflag:s28] =	ssyncadd.s32 $0xFFFFC000  }
0x6d: {  	v1 =	vld [tilespmem:s1+$0xC430]  }
0x6e: {  	v2 =	vld [tilespmem:s1+$0xC400]  }
0x6f: {  	v0 =	vld [tilespmem:s1+$0xC410]  }
0x70: {  	s0 =	simm.s32 $0x200;
	v3 =	vld [tilespmem:s1+$0xC420]  }
.LBB2_9:
0x71: {  	p0 =	sne.s32 s0, $0xFE00  }
.Ltmp5:
0x72: {  	s10 =	sshra.s32 s0, $0x2;
	s0 =	sadd.s32 $0x200, s0;
	[tilespmem:s1+$0x14430] =	vst v1;
	(pc) =	sbr.rel @p0 .LBB2_9-.Ltmp5, $4  }
0x73: {  	v1 =	vld [tilespmem:s10+$0xC430];
	[tilespmem:s1+$0x14400] =	vst v2  }
0x74: {  	v2 =	vld [tilespmem:s10+$0xC400];
	[tilespmem:s1+$0x14410] =	vst v0  }
0x75: {  	v0 =	vld [tilespmem:s10+$0xC410];
	[tilespmem:s1+$0x14420] =	vst v3;
	s1 =	smov.u32 s10  }
0x76: {  	v3 =	vld [tilespmem:s1+$0xC420]  }
0x77: {  	p0 =	seq.s32 s30, $0x31  }
.Ltmp6:
0x78: {  	[tilespmem:s1+$0x14430] =	vst v1;
	(pc) =	sbr.rel @p0 .LBB2_12-.Ltmp6, $4  }
0x79: {  	s0 =	sadd.s32 s31, s9;
	[tilespmem:s1+$0x14400] =	vst v2  }
0x7a: {  	s0 =	sshll.u32 s0, $0x4;
	[tilespmem:s1+$0x14410] =	vst v0  }
0x7b: {  	s0 =	sadd.s32 s4, s0;
	[tilespmem:s1+$0x14420] =	vst v3  }
0x7c: {  	[hbm4b:s0+s2] =	stream.linear.scatter [tilespmem:s23], [sflag:$0x6], $0x4000, $0x38;
	[tilespmem:$0x18400] =	vst v63  }
0x7d: {  	s0 =	sshll.u32 s30, $0x6  }
0x7e: {  	s0 =	sadd.s32 s11, s0  }
0x7f: {  	[tilespmem:s2], [sflag:$0x7] =	stream.linear.gather [hbm4b:s0+s2], $0x200, $0x38;
	[tilespmem:$0x18400] =	vst v63  }
0x80: {  	_ =	swait.ge [sflag:s12], $0x200  }
0x81: {  	[sflag:s12] =	ssyncset.done $0x0  }
0x82: {  	[sflag:s12] =	ssyncadd.s32 $0xFFFFFE00  }
0x83: {  	[tilespmem:s14], [sflag:$0x1] =	stream.indirect.gather [hbm4b:s3+s13], $0x80, s2, s13, $0xb8;
	[tilespmem:$0x18400] =	vst v63  }
0x84: {  	_ = 	snop  }
0x85: {  	[tilespmem:s15], [sflag:$0x2] =	stream.indirect.gather [hbm4b:s3+s13], $0x80, s13, s13, $0xb8;
	[tilespmem:$0x18400] =	vst v63  }
.Ltmp7:
0x86: {  	_ = 	snop;
	(pc) =	sbr.rel .LBB2_2-.Ltmp7, $4  }
0x87: {  	_ = 	snop  }
0x88: {  	[tilespmem:s17], [sflag:$0x3] =	stream.indirect.gather [hbm4b:s3+s13], $0x80, s16, s13, $0xb8;
	[tilespmem:$0x18400] =	vst v63  }
0x89: {  	s30 =	sadd.s32 $0x1, s30  }
0x8a: {  	[tilespmem:s19], [sflag:$0x4] =	stream.indirect.gather [hbm4b:s3+s13], $0x80, s18, s13, $0xb8;
	[tilespmem:$0x18400] =	vst v63  }
.LBB2_13:
0x8b: {  	_ =	sfence.sel $0x180000  }
0x8c: {  	[bflag:$0x0] =	sbarrier.arrive $0xFFFF  }
0x8d: {  	_ =	strace $0x90000047  }
0x8e: {  	s0 =	stileid.u32;
	[bflag:$0x2] =	sbarrier.arrive $0xFFFF  }
0x8f: {  	p0 =	sne.s32 s0, $0x0;
	s0 =	rddreg [dreg:$0x2]  }
0x90: {  	s0 =	sadd.s32 @!p0 $0x100000, s0  }
0x91: {  	[sflag:s0] =	ssyncadd.tile.s32 @!p0 $0x1;
	_ =	shalt  }
.Lfunc_end2:
_tile_overlayer_lowered:
.L_overlay_start_2:
0x92: {  	(tag) =	ssettag $0x2  }
0x93: {  	s0 =	rddreg [dreg:$0x0];
	s2 =	stileid.u32  }
0x94: {  	s1 =	rddreg [dreg:$0x1];
	p0 =	sne.s32 s2, $0x0  }
0x95: {  	s3 =	rddreg [dreg:$0x2];
	[bflag:$0x3] =	sbarrier.arrive $0xFFFF;
	s2 =	simm.s32 @!p0 $0x1C07  }
0x96: {  	[timem:s3], [sflag:s2] =	dma.local @!p0 [hbm:s0], s1  }
0x97: {  	s0 =	simm.s32 @!p0 $0x7  }
0x98: {  	_ =	swait.ge @!p0 [sflag:s0], s1  }
0x99: {  	s1 =	ssub.s32 @!p0 $0x0, s1;
	[sflag:s0] =	ssyncset.done @!p0 $0x0  }
0x9a: {  	[sflag:s0] =	ssyncadd.s32 @!p0 s1  }
0x9b: {  	[bflag:$0x3] =	sbarrier.arrive $0xFFFF  }
0x9c: {  	_ =	shalt  }

// kernel: sparse-core-data-format-call.cloned.1.call-start
scs
called_computation_lowered:
.L_overlay_start_0:
0x0: {  	s2 =	sld [smem:$0x3FD9]  }
0x1: {  	s3 =	sld [smem:$0x3FFE];
	_ =	sdelay $0x1  }
0x2: {  	s1 =	srdreg.scid  }
0x3: {  	s0 =	sand.u32 $0x1, s1  }
0x4: {  	s18 =	sshll.u32 s0, $0xA;
	s2 =	sadd.s32 s3, s2  }
0x5: {  	s2 =	sadd.s32 s2, s18  }
0x6: {  	[smem:$0x3FC6] =	sst s2  }
0x7: {  	_ = 	snop  }
0x8: {  	s2 =	sld [smem:$0x3FD0];
	(tm) =	ssettm $0x1  }
0x9: {  	s19 =	sld [smem:$0x3FFB];
	_ =	sdelay $0x3  }
0xa: {  	_ =	strace s19  }
0xb: {  	s3 =	sld [smem:$0x3FFC];
	_ =	sdelay $0x3  }
0xc: {  	_ =	strace s3  }
0xd: {  	s3 =	sld [smem:$0x3FFD];
	_ =	sdelay $0x3  }
0xe: {  	_ =	strace s3  }
0xf: {  	_ =	strace $0x8FFFFFFF  }
0x10: {  	s20 =	sld [smem:$0x3FDB];
	_ =	sdelay $0x1  }
0x11: {  	s4 =	simm.s32 $_scs_section_size  }
0x12: {  	s5 =	simm.s32 $_size__tile_overlayer_lowered;
	s6 =	simm.s32 $_tile_overlayer_lowered  }
0x13: {  	s23 =	simm.s32 $0x1BFF;
	s22 =	sshll.u32 s6, $0x1;
	s3 =	sadd.s32 s4, s20  }
0x14: {  	s7 =	simm.s32 $0x0;
	s21 =	sshll.u32 s5, $0x1;
	s5 =	sadd.s32 s22, s3  }
0x15: {  	[timem:s7], [sflag:s23] =	dma.local [hbm:s5], s21  }
0x16: {  	_ =	swait.ge [sflag:s23], s21  }
0x17: {  	s4 =	ssub.s32 $0x0, s21;
	[sflag:s23] =	ssyncset.done $0x0  }
0x18: {  	[sflag:s23] =	ssyncadd.s32 s4;
	_ =	sdelay $0x1  }
0x19: {  	s24 =	simm.s32 $0x1B8B  }
0x1a: {  	_ =	swait.ge [sflag:s24], $0x1  }
0x1b: {  	[sflag:s24] =	ssyncset.done $0x0  }
0x1c: {  	s26 =	simm.s32 $0x1B8E;
	s25 =	sld [smem:$0x3FFE];
	[sflag:s24] =	ssyncadd.s32 $0xFFFFFFFF  }
0x1d: {  	s27 =	simm.s32 $execute0_lowered;
	[smem:$0x3FD2] =	sst s26  }
0x1e: {  	s5 =	sshll.u32 s27, $0x1;
	_ =	strace $0x80000049;
	[dreg:$0x1] =	wrdreg $0xFFFFFFFF  }
0x1f: {  	s28 =	simm.s32 $_size_execute0_lowered;
	s3 =	sadd.s32 s3, s5;
	[dreg:$0x0] =	wrdreg $0x0  }
0x20: {  	s5 =	sshll.u32 s28, $0x1;
	[dreg:$0x2] =	wrdreg s3  }
0x21: {  	[dreg:$0x3] =	wrdreg s5  }
0x22: {  	[dreg:$0x4] =	wrdreg $0xC0  }
0x23: {  	_ =	task [dreg:s7], $0x5FFFF  }
0x24: {  	[dreg:$0x1] =	wrdreg $0xFFFFFFFF  }
0x25: {  	[dreg:$0x0] =	wrdreg $0x60  }
0x26: {  	[dreg:$0x2] =	wrdreg s25  }
0x27: {  	[dreg:$0x3] =	wrdreg s2  }
0x28: {  	[dreg:$0x4] =	wrdreg $0x9  }
0x29: {  	_ =	task.clear_ibuf [dreg:s7], $0x5FFFF;
	_ =	strace $0x90000049  }
0x2a: {  	s29 =	simm.s32 $0x9;
	_ =	strace $0x8000004B  }
0x2b: {  	_ =	swait.ge [sflag:s29], $0x1  }
0x2c: {  	[sflag:s29] =	ssyncadd.s32 $0xFFFFFFFF  }
0x2d: {  	_ =	strace $0x9000004B  }
0x2e: {  	_ =	sfence  }
0x2f: {  	s30 =	sld [smem:$0x0];
	_ =	sdelay $0x2  }
0x30: {  	s31 =	sshll.u32 s1, $0xD;
	s1 =	sshrl.u32 s1, $0x2  }
0x31: {  	s3 =	sand.u32 $0x4000, s31;
	s1 =	sadd.s32 s1, s30  }
0x32: {  	s0 =	sor.u32 s3, s0;
	s1 =	sshll.u32 s1, $0x11  }
0x33: {  	s0 =	sor.u32 s1, s0  }
0x34: {  	s0 =	sadd.s32 $0x8F2B, s0  }
0x35: {  	[sflag:s0] =	ssyncadd.remote.s32 $0x1  }
0x36: {  	_ =	sfence.sel $0xFFFF  }
0x37: {  	[dreg:$0x0] =	wrdreg $0xFFFFFFFF;
	(pc) =	sbr.abs _section_cstart, $3  }
0x38: {  	[dreg:$0x1] =	wrdreg $0xFFFFFFFF  }
0x39: {  	_ =	task.clear_ibuf [dreg:s7], $0x2FFFF;
	_ =	strace $0x9FFFFFFF  }
0x3a: {  	(tm) =	ssettm $0x7FFFFFFF  }
0x3b: {  	_ =	shalt  }
tec
execute0_lowered:
.L_overlay_start_1:
0x0: {  	(tag) =	ssettag $0x1  }
0x1: {  	s0 =	srdreg.scid  }
0x2: {  	s1 =	sshll.u32 s0, $0x4  }
0x3: {  	s0 =	stileid.u32;
	s1 =	sand.u32 $0x10, s1  }
0x4: {  	s1 =	sor.u32 s0, s1  }
0x5: {  	s6 =	rddreg [dreg:$0x0];
	s4 =	simm.s32 $0x1;
	s2 =	sshll.u32 s1, $0x7  }
0x6: {  	s7 =	simm.s32 $0x2;
	s12 =	simm.s32 $0x0;
	s1 =	ssub.s32 $0x1000, s2  }
0x7: {  	s8 =	simm.s32 $0x8000;
	s13 =	simm.s32 $0x0;
	s3 =	sand.u32 $0xF80, s1  }
0x8: {  	s9 =	simm.s32 $0x0;
	s5 =	sshrl.u32 s1, $0xC;
	p0 =	sne.s32 s3, $0x0  }
.Ltmp0:
0x9: {  	s1 =	rddreg [dreg:$0x2];
	s4 =	simm.s32 @!p0 $0x0;
	(pc) =	sbr.rel .LBB1_1-.Ltmp0, $4  }
0xa: {  	s11 =	simm.s32 $0x0;
	s3 =	rddreg [dreg:$0x1];
	s5 =	sadd.s32 s4, s5  }
0xb: {  	_ =	strace $0x8000004A;
	s4 =	simm.s32 $0x1;
	s5 =	smul.u32 $0xC8, s5  }
0xc: {  	s6 =	sadd.s32 $0xA00, s6;
	s10 =	smov.u32 s2;
	[sflag:s4] =	ssyncpa.u1 $0x0  }
0xd: {  	p0 =	por $0x0, $0x0;
	[sflag:s7] =	ssyncpa.u1 $0x0;
	s7 =	sor.u32 $0x1, s5  }
.LBB1_4:
0xe: {  	s16 =	sshll.u32 s13, $0x3;
	s17 =	sand.u32 $0x78, s13  }
0xf: {  	s30 =	sand.u32 $0x7E00, s13;
	s12 =	sshll.u32 s12, $0xF;
	s16 =	sand.u32 $0xC00, s16  }
0x10: {  	[tilespmem:s15+$0x810 ss:$0x81] =	vst.msk $0xffff, v2;
	s31 =	sand.u32 $0x7, s13;
	s16 =	sor.u32 s17, s16;
	s17 =	sadd.s32 s3, s30  }
0x11: {  	[tilespmem:s15+$0x1020 ss:$0x81] =	vst.msk $0xffff, v0;
	s13 =	sshll.u32 s31, $0x12;
	s12 =	sadd.s32 s12, s17;
	s16 =	sshrl.u32 s16, $0x3  }
0x12: {  	[tilespmem:s15+$0x0 ss:$0x81] =	vst.msk $0xffff, v1;
	s13 =	sor.u32 $0x400, s13;
	s12 =	sadd.s32 s16, s12  }
0x13: {  	[hbm4b:s12+s13] =	stream.strided.scatter [tilespmem:s14], [sflag:$0x2], $0x2000, s8, s13, $0x20;
	[tilespmem:$0x8080] =	vst v63  }
.LBB1_5:
0x14: {  	s14 =	sadd.s32 $0x1, s9  }
0x15: {  	s12 =	sadd.s32 $0x1000, s10;
	s16 =	smov.u32 s10;
	p2 =	sgt.s32 s14, $0xC7  }
0x16: {  	s16 =	smov.u32 @p2 s12  }
0x17: {  	s14 =	simm.s32 @p2 $0x0;
	p2 =	sgt.s32 s16, $0xFFF  }
0x18: {  	s16 =	smov.u32 @p2 s2;
	p2 =	sne.s32 s11, s7  }
.Ltmp1:
0x19: {  	p1 =	slt.u32 s11, $0x2;
	(pc) =	sbr.rel @!p2 .LBB1_6-.Ltmp1, $4  }
0x1a: {  	s15 =	simm.s32 @!p1 $0x2  }
0x1b: {  	s13 =	smov.u32 s10;
	p0 =	por !p0, !p0;
	_ =	swait.ge @!p1 [sflag:s15], $0x2000  }
0x1c: {  	s12 =	smov.u32 s9;
	[sflag:s15] =	ssyncset.done @!p1 $0x0;
	s9 =	smov.u32 s14  }
0x1d: {  	s11 =	sadd.s32 $0x1, s11;
	[sflag:s15] =	ssyncadd.s32 @!p1 $0xFFFFE000;
	s10 =	smov.u32 s16  }
.LBB1_1:
0x1e: {  	p1 =	sge.u32 s11, s5  }
0x1f: {  	s14 =	sand.u32 @!p1 $0x1FFFFFF, s9  }
0x20: {  	s15 =	smulhi.u32 @!p1 $0x147AE15, s14;
	_ =	sdelay $0x1  }
0x21: {  	s15 =	smul.u32 @!p1 $0xC8, s15  }
0x22: {  	s16 =	sxor.u32 @!p1 $0xFFFFFFFF, s11;
	s17 =	smul.u32 @!p1 $0xC80, s10  }
0x23: {  	s31 =	sadd.s32 $0xFFFFFFFF, s11;
	s16 =	sshll.u32 @!p1 s16, $0xD;
	s14 =	ssub.s32 @!p1 s14, s15  }
0x24: {  	s15 =	sand.u32 @!p1 $0x2000, s16;
	s16 =	sadd.s32 @!p1 s6, s17;
	s14 =	sshll.u32 @!p1 s14, $0x4  }
0x25: {  	s17 =	simm.s32 @!p1 $0x6400;
	s14 =	sadd.s32 @!p1 s14, s16;
	s16 =	simm.s32 @!p1 $0x40  }
0x26: {  	[tilespmem:s15], [sflag:$0x1] =	stream.strided.gather @!p1 [hbm4b:s14+s16], $0x2000, s17, s16, $0x38;
	[tilespmem:$0x8080] =	vst v63  }
0x27: {  	p1 =	sge.u32 s31, s5  }
.Ltmp2:
0x28: {  	_ = 	snop;
	(pc) =	sbr.rel @p1 .LBB1_5-.Ltmp2, $1  }
0x29: {  	_ =	sdelay $0x3  }
0x2a: {  	s14 =	simm.s32 $0x1  }
0x2b: {  	_ =	swait.ge [sflag:s4], $0x2000;
	s14 =	simm.s32 @!p0 $0x0  }
0x2c: {  	[sflag:s4] =	ssyncset.done $0x0;
	s15 =	sshll.u32 s14, $0xD  }
0x2d: {  	[sflag:s4] =	ssyncadd.s32 $0xFFFFE000;
	s18 =	sor.u32 $0x20, s15  }
0x2e: {  	s14 =	smul.u32 $0x8100, s14;
	v3 =	vld [tilespmem:s18+$0x10]  }
0x2f: {  	s30 =	sand.u32 $0x1, s11;
	v2 =	vld [tilespmem:s18+$0xFFFFFFF0]  }
0x30: {  	s15 =	smul.u32 $0x8100, s30;
	s14 =	sshrl.u32 s14, $0x2;
	v0 =	vld [tilespmem:s18+$0x0]  }
0x31: {  	v1 =	vld [tilespmem:s18+$0xFFFFFFE0];
	s16 =	sor.u32 $0x4000, s14  }
0x32: {  	s31 =	sshrl.u32 s15, $0x2;
	s15 =	sadd.s32 $0x0, s16  }
0x33: {  	s17 =	simm.s32 $0x4;
	s18 =	sadd.s32 $0x40, s18;
	s14 =	sor.u32 $0x4000, s31;
	[tilespmem:s15+$0x1830 ss:$0x81] =	vst.msk $0xffff, v3  }
.LBB1_3:
0x34: {  	v3 =	vld [tilespmem:s18+$0x10];
	p1 =	sne.s32 s17, $0x1FC;
	[tilespmem:s15+$0x810 ss:$0x81] =	vst.msk $0xffff, v2;
	s19 =	smov.u32 s17;
	s17 =	sadd.s32 $0x4, s17  }
.Ltmp3:
0x35: {  	v2 =	vld [tilespmem:s18+$0xFFFFFFF0];
	[tilespmem:s15+$0x1020 ss:$0x81] =	vst.msk $0xffff, v0;
	(pc) =	sbr.rel @p1 .LBB1_3-.Ltmp3, $4  }
0x36: {  	v0 =	vld [tilespmem:s18+$0x0];
	[tilespmem:s15+$0x0 ss:$0x81] =	vst.msk $0xffff, v1  }
0x37: {  	s15 =	sshra.s32 s19, $0x2;
	v1 =	vld [tilespmem:s18+$0xFFFFFFE0]  }
0x38: {  	s15 =	sadd.s32 s15, s16  }
0x39: {  	s18 =	sadd.s32 $0x40, s18;
	[tilespmem:s15+$0x1830 ss:$0x81] =	vst.msk $0xffff, v3  }
.Ltmp4:
0x3a: {  	_ = 	snop;
	(pc) =	sbr.rel .LBB1_4-.Ltmp4, $1  }
0x3b: {  	_ =	sdelay $0x3  }
.LBB1_6:
0x3c: {  	_ =	sfence.sel $0x180000  }
0x3d: {  	s2 =	simm.s32 $0x1;
	[bflag:$0x0] =	sbarrier.arrive $0xFFFF  }
0x3e: {  	s31 =	simm.s32 $0x2;
	[sflag:s2] =	ssyncpa.u1 $0x1  }
0x3f: {  	[sflag:s31] =	ssyncpa.u1 $0x1  }
0x40: {  	p0 =	sne.s32 s0, $0x0;
	_ =	strace $0x9000004A  }
0x41: {  	s0 =	sadd.s32 @!p0 $0x100000, s1;
	[bflag:$0x2] =	sbarrier.arrive $0xFFFF  }
0x42: {  	[sflag:s0] =	ssyncadd.tile.s32 @!p0 $0x1;
	_ =	shalt  }
.Lfunc_end1:
_tile_overlayer_lowered:
.L_overlay_start_2:
0x43: {  	(tag) =	ssettag $0x2  }
0x44: {  	s0 =	rddreg [dreg:$0x0];
	s2 =	stileid.u32  }
0x45: {  	s1 =	rddreg [dreg:$0x1];
	p0 =	sne.s32 s2, $0x0  }
0x46: {  	s3 =	rddreg [dreg:$0x2];
	[bflag:$0x3] =	sbarrier.arrive $0xFFFF;
	s2 =	simm.s32 @!p0 $0x1C01  }
0x47: {  	[timem:s3], [sflag:s2] =	dma.local @!p0 [hbm:s0], s1  }
0x48: {  	s0 =	simm.s32 @!p0 $0x1  }
0x49: {  	_ =	swait.ge @!p0 [sflag:s0], s1  }
0x4a: {  	s1 =	ssub.s32 @!p0 $0x0, s1;
	[sflag:s0] =	ssyncset.done @!p0 $0x0  }
0x4b: {  	[sflag:s0] =	ssyncadd.s32 @!p0 s1  }
0x4c: {  	[bflag:$0x3] =	sbarrier.arrive $0xFFFF  }
0x4d: {  	_ =	shalt  }

</sc_bundles>
